<compile_context>
chip_gen: v7x
topology: tpu7x:2x2x1
jax: 0.10.2.dev20260603
libtpu: 0.0.44.dev20260713+nightly
codegen_flags: <defaults>
</compile_context>

<pallas_src>
import functools

import jax
import jax.numpy as jnp
from jax import lax
from jax.experimental import pallas as pl
from jax.experimental.pallas import tpu as pltpu
from jax.experimental.pallas import tpu_sc as plsc

DAMP = 0.39

N_NODES = 100000
N_EDGES = 6400000
N_PAD = 102400

NW = 32
NB = N_EDGES // 128
BPW = 1568
CHUNK = 2048
N_CHUNK = BPW * 128 // CHUNK
N_PAIR = N_CHUNK // 2
QS = 6256


def _rsqrt_body(p_ref, q_ref):
    q_ref[...] = lax.rsqrt(p_ref[...])


def _node_q(pol):
    p = jnp.concatenate([pol, jnp.ones((N_PAD - N_NODES,), jnp.float32)])
    p = p.reshape(N_PAD // 128, 128)
    q = pl.pallas_call(
        _rsqrt_body,
        out_shape=jax.ShapeDtypeStruct((N_PAD // 128, 128), jnp.float32),
    )(p)
    return q.reshape(-1)


_mesh = plsc.VectorSubcoreMesh(core_axis_name="c", subcore_axis_name="s")


@functools.partial(
    pl.kernel,
    mesh=_mesh,
    out_type=jax.ShapeDtypeStruct((2, N_EDGES), jnp.float32),
    compiler_params=pltpu.CompilerParams(needs_layout_passes=False),
    scratch_types=[
        pltpu.VMEM((N_NODES,), jnp.float32),
        pltpu.VMEM((CHUNK,), jnp.int32),
        pltpu.VMEM((CHUNK,), jnp.int32),
        pltpu.VMEM((CHUNK,), jnp.int32),
        pltpu.VMEM((CHUNK,), jnp.int32),
        pltpu.VMEM((CHUNK,), jnp.float32),
        pltpu.VMEM((CHUNK,), jnp.float32),
        pltpu.VMEM((2, CHUNK), jnp.float32),
        pltpu.VMEM((2, CHUNK), jnp.float32),
        pltpu.VMEM_SHARED((N_NODES,), jnp.float32),
        pltpu.SemaphoreType.DMA,
        pltpu.SemaphoreType.DMA,
        pltpu.SemaphoreType.DMA,
        pltpu.SemaphoreType.DMA,
    ],
)
def _sc_edges(q_hbm, src_hbm, dst_hbm, dist_hbm, out_hbm,
              qtab, srcv0, srcv1, dstv0, dstv1, distv0, distv1,
              lv0, lv1, spq,
              isem0, isem1, osem0, osem1):
    sid = lax.axis_index("s")
    wid = sid * 2 + lax.axis_index("c")
    base0 = jnp.minimum(wid * BPW, NB - BPW) * 128
    srcv = (srcv0, srcv1)
    dstv = (dstv0, dstv1)
    distv = (distv0, distv1)
    lv = (lv0, lv1)
    isems = (isem0, isem1)
    osems = (osem0, osem1)

    def in_copies(ci, b):
        base = base0 + ci * CHUNK
        return (
            pltpu.make_async_copy(src_hbm.at[pl.ds(base, CHUNK)],
                                  srcv[b], isems[b]),
            pltpu.make_async_copy(dst_hbm.at[pl.ds(base, CHUNK)],
                                  dstv[b], isems[b]),
            pltpu.make_async_copy(dist_hbm.at[pl.ds(base, CHUNK)],
                                  distv[b], isems[b]),
        )

    def out_copies(ci, b):
        base = base0 + ci * CHUNK
        return (
            pltpu.make_async_copy(lv[b],
                                  out_hbm.at[:, pl.ds(base, CHUNK)],
                                  osems[b]),
        )

    def start(copies):
        for c in copies:
            c.start()

    def wait(copies):
        for c in copies:
            c.wait()

    def compute(b):
        sv, dv, xv, o = srcv[b], dstv[b], distv[b], lv[b]

        @plsc.parallel_loop(0, CHUNK, 16, unroll=8)
        def _vec(off):
            si = sv[pl.ds(off, 16)]
            di = dv[pl.ds(off, 16)]
            qs = plsc.load_gather(qtab, [si])
            qd = plsc.load_gather(qtab, [di])
            d = xv[pl.ds(off, 16)]
            u3 = (DAMP * d) * (d * d) * (qs * qd)
            e = jnp.exp(-u3)
            o[0, pl.ds(off, 16)] = 1.0 - e
            o[1, pl.ds(off, 16)] = 1.0 - (1.0 + u3) * e

    start(in_copies(0, 0))
    start(in_copies(1, 1))
    qb = jnp.minimum(sid * QS, N_NODES - QS)
    pltpu.sync_copy(q_hbm.at[pl.ds(qb, QS)], qtab.at[pl.ds(qb, QS)])
    pltpu.sync_copy(qtab.at[pl.ds(qb, QS)], spq.at[pl.ds(qb, QS)])
    plsc.subcore_barrier()
    pltpu.sync_copy(spq, qtab)

    for b in (0, 1):
        wait(in_copies(b, b))
        compute(b)
        start(out_copies(b, b))
        start(in_copies(b + 2, b))

    def pair_body(cp, carry):
        for b in (0, 1):
            ci = 2 * cp + b
            wait(in_copies(ci, b))
            wait(out_copies(ci - 2, b))
            compute(b)
            start(out_copies(ci, b))
            nci = jnp.where(ci + 2 < N_CHUNK, ci + 2, b)
            start(in_copies(nci, b))
        return carry

    lax.fori_loop(1, N_PAIR, pair_body, 0)

    for b in (0, 1):
        wait(in_copies(b, b))
        wait(out_copies(N_CHUNK - 2 + b, b))


def kernel(species, edge_src, edge_dst, distances, vec, polarisability):
    q = _node_q(polarisability)
    return _sc_edges(q, edge_src, edge_dst, distances)

# --- scband reference (transcript-rebuilt; emitter-appended) ---
"""Pipeline reference for scband-polarisation-68865505624311 (READ-ONLY COPY).

The authoritative reference and input builder live on the scoring server;
editing this copy changes nothing except your own understanding.
"""

import jax, jax.numpy as jnp
import numpy as np

BOHR = 0.52917721092  # Bohr radius in Angstrom (stand-in for au.BOHR)
DAMPING_PARAM_MUTUAL = 0.39

N_NODES = 100000
N_EDGES = 6400000


def setup_inputs(seed: int = 0) -> dict:
    key = jax.random.key(seed)
    k1, k2, k3, k4, k5, k6 = jax.random.split(key, 6)
    species = jax.random.randint(k1, (N_NODES,), 1, 100)
    edge_src = jax.random.randint(k2, (N_EDGES,), 0, N_NODES)
    edge_dst = jax.random.randint(k3, (N_EDGES,), 0, N_NODES)
    # interatomic distances in Angstrom, strictly positive
    distances = jax.random.uniform(k4, (N_EDGES,), minval=1.0, maxval=6.0, dtype=jnp.float32)
    vec = jax.random.normal(k5, (N_EDGES, 3), dtype=jnp.float32)
    # isotropic polarisabilities in Angstrom^3, strictly positive (needed for **(1/6))
    polarisability = jax.random.uniform(k6, (N_NODES,), minval=0.5, maxval=3.0, dtype=jnp.float32)
    return {
        "species": species,
        "edge_src": edge_src,
        "edge_dst": edge_dst,
        "distances": distances,
        "vec": vec,
        "polarisability": polarisability,
    }


def reference(species, edge_src, edge_dst, distances, vec, polarisability):
    # Faithful translation of Polarisation.__call__ up to the point where
    # quantities are actually computed (the original returns the graph dict
    # unchanged; here we return the computed Thole damping factors
    # lambda_3 / lambda_5, which are the live computation in the forward).
    rij = distances / BOHR
    vec_ij = vec / BOHR  # computed in the original forward (unused downstream)
    pol = polarisability / BOHR ** 3
    pol_src = pol[edge_src]          # gather per-edge
    pol_dst = pol[edge_dst]          # gather per-edge
    alpha_ij = pol_dst * pol_src
    uij = rij / alpha_ij ** (1.0 / 6.0)
    u3 = DAMPING_PARAM_MUTUAL * uij ** 3
    exp = jnp.exp(-u3)
    lambda_3 = 1.0 - exp
    lambda_5 = 1.0 - (1.0 + u3) * exp
    return jnp.stack([lambda_3, lambda_5], axis=0)

if __name__ == "__main__":
    import jax
    _d = setup_inputs()
    print(jax.jit(kernel)(*tuple(_d.values())))

</pallas_src>

<mosaic_0001>
#map = affine_map<(d0, d1) -> (0)>
#map1 = affine_map<(d0, d1) -> (0, 0)>
module attributes {stable_mosaic.version = 14 : i64} {
  func.func @_sc_edges(%arg0: i32, %arg1: i32, %arg2: memref<102400xf32, #tpu.memory_space<hbm>>, %arg3: memref<6400000xi32, #tpu.memory_space<hbm>>, %arg4: memref<6400000xi32, #tpu.memory_space<hbm>>, %arg5: memref<6400000xf32, #tpu.memory_space<hbm>>, %arg6: memref<2x6400000xf32, #tpu.memory_space<hbm>>, %arg7: memref<100000xf32, #tpu.memory_space<vmem>>, %arg8: memref<2048xi32, #tpu.memory_space<vmem>>, %arg9: memref<2048xi32, #tpu.memory_space<vmem>>, %arg10: memref<2048xi32, #tpu.memory_space<vmem>>, %arg11: memref<2048xi32, #tpu.memory_space<vmem>>, %arg12: memref<2048xf32, #tpu.memory_space<vmem>>, %arg13: memref<2048xf32, #tpu.memory_space<vmem>>, %arg14: memref<2x2048xf32, #tpu.memory_space<vmem>>, %arg15: memref<2x2048xf32, #tpu.memory_space<vmem>>, %arg16: memref<100000xf32, #tpu.memory_space<vmem_shared>>, %arg17: memref<!tpu.dma_semaphore, #tpu.memory_space<semaphore_mem>>, %arg18: memref<!tpu.dma_semaphore, #tpu.memory_space<semaphore_mem>>, %arg19: memref<!tpu.dma_semaphore, #tpu.memory_space<semaphore_mem>>, %arg20: memref<!tpu.dma_semaphore, #tpu.memory_space<semaphore_mem>>) attributes {dimension_semantics = [#tpu.dimension_semantics<core_parallel>, #tpu.dimension_semantics<subcore_parallel>], iteration_bounds = array<i64: 2, 16>, scalar_prefetch = 0 : i64, scratch_operands = 14 : i64, tpu.core_type = #tpu.core_type<sc_vector_subcore>, window_params = [{transform_indices = #map}, {transform_indices = #map}, {transform_indices = #map}, {transform_indices = #map}, {transform_indices = #map1}]} {
    %mul3A = arith.constant 2 : i32
    %mul3A_0 = arith.muli %arg1, %mul3A : i32
    %add3A = arith.addi %mul3A_0, %arg0 : i32
    %mul3A_1 = arith.constant 1568 : i32
    %mul3A_2 = arith.muli %add3A, %mul3A_1 : i32
    %min3A = arith.constant 48432 : i32
    %min3A_3 = arith.minsi %mul3A_2, %min3A : i32
    %mul3A_4 = arith.constant 128 : i32
    %mul3A_5 = arith.muli %min3A_3, %mul3A_4 : i32
    %add3A_6 = arith.constant 0 : i32
    %add3A_7 = arith.addi %mul3A_5, %add3A_6 : i32
    %dma_start3A = tpu.memref_slice %arg3[%add3A_7] : memref<6400000xi32, #tpu.memory_space<hbm>> -> memref<2048xi32, #tpu.memory_space<hbm>>
    %dma_start3A_8 = tpu.memref_slice %arg3[%add3A_7] : memref<6400000xi32, #tpu.memory_space<hbm>> -> memref<2048xi32, #tpu.memory_space<hbm>>
    tpu.enqueue_dma source(%dma_start3A_8 : memref<2048xi32, #tpu.memory_space<hbm>>) target(%arg8 : memref<2048xi32, #tpu.memory_space<vmem>>) target_semaphore(%arg17 : memref<!tpu.dma_semaphore, #tpu.memory_space<semaphore_mem>>)
    %dma_start3A_9 = tpu.memref_slice %arg4[%add3A_7] : memref<6400000xi32, #tpu.memory_space<hbm>> -> memref<2048xi32, #tpu.memory_space<hbm>>
    %dma_start3A_10 = tpu.memref_slice %arg4[%add3A_7] : memref<6400000xi32, #tpu.memory_space<hbm>> -> memref<2048xi32, #tpu.memory_space<hbm>>
    tpu.enqueue_dma source(%dma_start3A_10 : memref<2048xi32, #tpu.memory_space<hbm>>) target(%arg10 : memref<2048xi32, #tpu.memory_space<vmem>>) target_semaphore(%arg17 : memref<!tpu.dma_semaphore, #tpu.memory_space<semaphore_mem>>)
    %dma_start3A_11 = tpu.memref_slice %arg5[%add3A_7] : memref<6400000xf32, #tpu.memory_space<hbm>> -> memref<2048xf32, #tpu.memory_space<hbm>>
    %dma_start3A_12 = tpu.memref_slice %arg5[%add3A_7] : memref<6400000xf32, #tpu.memory_space<hbm>> -> memref<2048xf32, #tpu.memory_space<hbm>>
    tpu.enqueue_dma source(%dma_start3A_12 : memref<2048xf32, #tpu.memory_space<hbm>>) target(%arg12 : memref<2048xf32, #tpu.memory_space<vmem>>) target_semaphore(%arg17 : memref<!tpu.dma_semaphore, #tpu.memory_space<semaphore_mem>>)
    %add3A_13 = arith.constant 2048 : i32
    %add3A_14 = arith.addi %mul3A_5, %add3A_13 : i32
    %dma_start3A_15 = tpu.memref_slice %arg3[%add3A_14] : memref<6400000xi32, #tpu.memory_space<hbm>> -> memref<2048xi32, #tpu.memory_space<hbm>>
    %dma_start3A_16 = tpu.memref_slice %arg3[%add3A_14] : memref<6400000xi32, #tpu.memory_space<hbm>> -> memref<2048xi32, #tpu.memory_space<hbm>>
    tpu.enqueue_dma source(%dma_start3A_16 : memref<2048xi32, #tpu.memory_space<hbm>>) target(%arg9 : memref<2048xi32, #tpu.memory_space<vmem>>) target_semaphore(%arg18 : memref<!tpu.dma_semaphore, #tpu.memory_space<semaphore_mem>>)
    %dma_start3A_17 = tpu.memref_slice %arg4[%add3A_14] : memref<6400000xi32, #tpu.memory_space<hbm>> -> memref<2048xi32, #tpu.memory_space<hbm>>
    %dma_start3A_18 = tpu.memref_slice %arg4[%add3A_14] : memref<6400000xi32, #tpu.memory_space<hbm>> -> memref<2048xi32, #tpu.memory_space<hbm>>
    tpu.enqueue_dma source(%dma_start3A_18 : memref<2048xi32, #tpu.memory_space<hbm>>) target(%arg11 : memref<2048xi32, #tpu.memory_space<vmem>>) target_semaphore(%arg18 : memref<!tpu.dma_semaphore, #tpu.memory_space<semaphore_mem>>)
    %dma_start3A_19 = tpu.memref_slice %arg5[%add3A_14] : memref<6400000xf32, #tpu.memory_space<hbm>> -> memref<2048xf32, #tpu.memory_space<hbm>>
    %dma_start3A_20 = tpu.memref_slice %arg5[%add3A_14] : memref<6400000xf32, #tpu.memory_space<hbm>> -> memref<2048xf32, #tpu.memory_space<hbm>>
    tpu.enqueue_dma source(%dma_start3A_20 : memref<2048xf32, #tpu.memory_space<hbm>>) target(%arg13 : memref<2048xf32, #tpu.memory_space<vmem>>) target_semaphore(%arg18 : memref<!tpu.dma_semaphore, #tpu.memory_space<semaphore_mem>>)
    %mul3A_21 = arith.constant 6256 : i32
    %mul3A_22 = arith.muli %arg1, %mul3A_21 : i32
    %min3A_23 = arith.constant 93744 : i32
    %min3A_24 = arith.minsi %mul3A_22, %min3A_23 : i32
    "tpu.region"() ({
      %run_scoped3A = tpu.sem_alloc : memref<!tpu.dma_semaphore, #tpu.memory_space<semaphore_mem>>
      %dma_start3A_106 = tpu.memref_slice %arg7[%min3A_24] : memref<100000xf32, #tpu.memory_space<vmem>> -> memref<6256xf32, #tpu.memory_space<vmem>>
      %dma_start3A_107 = tpu.memref_slice %arg2[%min3A_24] : memref<102400xf32, #tpu.memory_space<hbm>> -> memref<6256xf32, #tpu.memory_space<hbm>>
      %dma_start3A_108 = tpu.memref_slice %arg7[%min3A_24] : memref<100000xf32, #tpu.memory_space<vmem>> -> memref<6256xf32, #tpu.memory_space<vmem>>
      %dma_start3A_109 = tpu.memref_slice %arg2[%min3A_24] : memref<102400xf32, #tpu.memory_space<hbm>> -> memref<6256xf32, #tpu.memory_space<hbm>>
      tpu.enqueue_dma source(%dma_start3A_109 : memref<6256xf32, #tpu.memory_space<hbm>>) target(%dma_start3A_108 : memref<6256xf32, #tpu.memory_space<vmem>>) target_semaphore(%run_scoped3A : memref<!tpu.dma_semaphore, #tpu.memory_space<semaphore_mem>>)
      %dma_wait3A_110 = tpu.memref_slice %arg7[%min3A_24] : memref<100000xf32, #tpu.memory_space<vmem>> -> memref<6256xf32, #tpu.memory_space<vmem>>
      %dma_wait3A_111 = tpu.memref_slice %arg2[%min3A_24] : memref<102400xf32, #tpu.memory_space<hbm>> -> memref<6256xf32, #tpu.memory_space<hbm>>
      %dma_wait3A_112 = tpu.memref_slice %arg7[%min3A_24] : memref<100000xf32, #tpu.memory_space<vmem>> -> memref<6256xf32, #tpu.memory_space<vmem>>
      %dma_wait3A_113 = tpu.memref_slice %arg2[%min3A_24] : memref<102400xf32, #tpu.memory_space<hbm>> -> memref<6256xf32, #tpu.memory_space<hbm>>
      tpu.wait_dma2 semaphore(%run_scoped3A : memref<!tpu.dma_semaphore, #tpu.memory_space<semaphore_mem>>) src(%dma_wait3A_113 : memref<6256xf32, #tpu.memory_space<hbm>>) dst(%dma_wait3A_112 : memref<6256xf32, #tpu.memory_space<vmem>>)
      tpu.yield
    }) : () -> ()
    "tpu.region"() ({
      %run_scoped3A = tpu.sem_alloc : memref<!tpu.dma_semaphore, #tpu.memory_space<semaphore_mem>>
      %dma_start3A_106 = tpu.memref_slice %arg7[%min3A_24] : memref<100000xf32, #tpu.memory_space<vmem>> -> memref<6256xf32, #tpu.memory_space<vmem>>
      %dma_start3A_107 = tpu.memref_slice %arg16[%min3A_24] : memref<100000xf32, #tpu.memory_space<vmem_shared>> -> memref<6256xf32, #tpu.memory_space<vmem_shared>>
      %dma_start3A_108 = tpu.memref_slice %arg16[%min3A_24] : memref<100000xf32, #tpu.memory_space<vmem_shared>> -> memref<6256xf32, #tpu.memory_space<vmem_shared>>
      %dma_start3A_109 = tpu.memref_slice %arg7[%min3A_24] : memref<100000xf32, #tpu.memory_space<vmem>> -> memref<6256xf32, #tpu.memory_space<vmem>>
      tpu.enqueue_dma source(%dma_start3A_109 : memref<6256xf32, #tpu.memory_space<vmem>>) target(%dma_start3A_108 : memref<6256xf32, #tpu.memory_space<vmem_shared>>) target_semaphore(%run_scoped3A : memref<!tpu.dma_semaphore, #tpu.memory_space<semaphore_mem>>)
      %dma_wait3A_110 = tpu.memref_slice %arg7[%min3A_24] : memref<100000xf32, #tpu.memory_space<vmem>> -> memref<6256xf32, #tpu.memory_space<vmem>>
      %dma_wait3A_111 = tpu.memref_slice %arg16[%min3A_24] : memref<100000xf32, #tpu.memory_space<vmem_shared>> -> memref<6256xf32, #tpu.memory_space<vmem_shared>>
      %dma_wait3A_112 = tpu.memref_slice %arg16[%min3A_24] : memref<100000xf32, #tpu.memory_space<vmem_shared>> -> memref<6256xf32, #tpu.memory_space<vmem_shared>>
      %dma_wait3A_113 = tpu.memref_slice %arg7[%min3A_24] : memref<100000xf32, #tpu.memory_space<vmem>> -> memref<6256xf32, #tpu.memory_space<vmem>>
      tpu.wait_dma2 semaphore(%run_scoped3A : memref<!tpu.dma_semaphore, #tpu.memory_space<semaphore_mem>>) src(%dma_wait3A_113 : memref<6256xf32, #tpu.memory_space<vmem>>) dst(%dma_wait3A_112 : memref<6256xf32, #tpu.memory_space<vmem_shared>>)
      tpu.yield
    }) : () -> ()
    %barrier3A = arith.constant 0 : index
    tpu.barrier barrier_id(%barrier3A)
    "tpu.region"() ({
      %run_scoped3A = tpu.sem_alloc : memref<!tpu.dma_semaphore, #tpu.memory_space<semaphore_mem>>
      tpu.enqueue_dma source(%arg16 : memref<100000xf32, #tpu.memory_space<vmem_shared>>) target(%arg7 : memref<100000xf32, #tpu.memory_space<vmem>>) target_semaphore(%run_scoped3A : memref<!tpu.dma_semaphore, #tpu.memory_space<semaphore_mem>>)
      tpu.wait_dma2 semaphore(%run_scoped3A : memref<!tpu.dma_semaphore, #tpu.memory_space<semaphore_mem>>) src(%arg16 : memref<100000xf32, #tpu.memory_space<vmem_shared>>) dst(%arg7 : memref<100000xf32, #tpu.memory_space<vmem>>)
      tpu.yield
    }) : () -> ()
    %add3A_25 = arith.constant 0 : i32
    %add3A_26 = arith.addi %mul3A_5, %add3A_25 : i32
    %dma_wait3A = tpu.memref_slice %arg3[%add3A_26] : memref<6400000xi32, #tpu.memory_space<hbm>> -> memref<2048xi32, #tpu.memory_space<hbm>>
    %dma_wait3A_27 = tpu.memref_slice %arg3[%add3A_26] : memref<6400000xi32, #tpu.memory_space<hbm>> -> memref<2048xi32, #tpu.memory_space<hbm>>
    tpu.wait_dma2 semaphore(%arg17 : memref<!tpu.dma_semaphore, #tpu.memory_space<semaphore_mem>>) src(%dma_wait3A_27 : memref<2048xi32, #tpu.memory_space<hbm>>) dst(%arg8 : memref<2048xi32, #tpu.memory_space<vmem>>)
    %dma_wait3A_28 = tpu.memref_slice %arg4[%add3A_26] : memref<6400000xi32, #tpu.memory_space<hbm>> -> memref<2048xi32, #tpu.memory_space<hbm>>
    %dma_wait3A_29 = tpu.memref_slice %arg4[%add3A_26] : memref<6400000xi32, #tpu.memory_space<hbm>> -> memref<2048xi32, #tpu.memory_space<hbm>>
    tpu.wait_dma2 semaphore(%arg17 : memref<!tpu.dma_semaphore, #tpu.memory_space<semaphore_mem>>) src(%dma_wait3A_29 : memref<2048xi32, #tpu.memory_space<hbm>>) dst(%arg10 : memref<2048xi32, #tpu.memory_space<vmem>>)
    %dma_wait3A_30 = tpu.memref_slice %arg5[%add3A_26] : memref<6400000xf32, #tpu.memory_space<hbm>> -> memref<2048xf32, #tpu.memory_space<hbm>>
    %dma_wait3A_31 = tpu.memref_slice %arg5[%add3A_26] : memref<6400000xf32, #tpu.memory_space<hbm>> -> memref<2048xf32, #tpu.memory_space<hbm>>
    tpu.wait_dma2 semaphore(%arg17 : memref<!tpu.dma_semaphore, #tpu.memory_space<semaphore_mem>>) src(%dma_wait3A_31 : memref<2048xf32, #tpu.memory_space<hbm>>) dst(%arg12 : memref<2048xf32, #tpu.memory_space<vmem>>)
    %parallel_loop3A = arith.constant 0 : i32
    %parallel_loop3A_32 = arith.constant 2048 : i32
    %parallel_loop3A_33 = arith.constant 16 : i32
    scf.for %parallel_loop3A_106 = %parallel_loop3A to %parallel_loop3A_32 step %parallel_loop3A_33  : i32 {
      %parallel_loop3A_107 = arith.index_cast %parallel_loop3A_106 : i32 to index
      %parallel_loop3A_108 = tpu.vector_load %arg8[%parallel_loop3A_107] {strides = array<i32>} : memref<2048xi32, #tpu.memory_space<vmem>>, vector<16xi32>,
      %parallel_loop3A_109 = arith.index_cast %parallel_loop3A_106 : i32 to index
      %parallel_loop3A_110 = tpu.vector_load %arg10[%parallel_loop3A_109] {strides = array<i32>} : memref<2048xi32, #tpu.memory_space<vmem>>, vector<16xi32>,
      %parallel_loop3A_111 = tpu.vector_load_idx %arg7[%parallel_loop3A_108] : memref<100000xf32, #tpu.memory_space<vmem>>[vector<16xi32>], vector<16xf32>,
      %parallel_loop3A_112 = tpu.vector_load_idx %arg7[%parallel_loop3A_110] : memref<100000xf32, #tpu.memory_space<vmem>>[vector<16xi32>], vector<16xf32>,
      %parallel_loop3A_113 = arith.index_cast %parallel_loop3A_106 : i32 to index
      %parallel_loop3A_114 = tpu.vector_load %arg12[%parallel_loop3A_113] {strides = array<i32>} : memref<2048xf32, #tpu.memory_space<vmem>>, vector<16xf32>,
      %parallel_loop3A_115 = arith.constant 3.900000e-01 : f32
      %parallel_loop3A_116 = vector.broadcast %parallel_loop3A_115 : f32 to vector<16xf32>
      %parallel_loop3A_117 = arith.mulf %parallel_loop3A_116, %parallel_loop3A_114 : vector<16xf32>
      %parallel_loop3A_118 = arith.mulf %parallel_loop3A_114, %parallel_loop3A_114 : vector<16xf32>
      %parallel_loop3A_119 = arith.mulf %parallel_loop3A_117, %parallel_loop3A_118 : vector<16xf32>
      %parallel_loop3A_120 = arith.mulf %parallel_loop3A_111, %parallel_loop3A_112 : vector<16xf32>
      %parallel_loop3A_121 = arith.mulf %parallel_loop3A_119, %parallel_loop3A_120 : vector<16xf32>
      %parallel_loop3A_122 = arith.constant 0.000000e+00 : f32
      %parallel_loop3A_123 = vector.broadcast %parallel_loop3A_122 : f32 to vector<16xf32>
      %parallel_loop3A_124 = arith.subf %parallel_loop3A_123, %parallel_loop3A_121 : vector<16xf32>
      %parallel_loop3A_125 = math.exp %parallel_loop3A_124 : vector<16xf32>
      %parallel_loop3A_126 = arith.constant 1.000000e+00 : f32
      %parallel_loop3A_127 = vector.broadcast %parallel_loop3A_126 : f32 to vector<16xf32>
      %parallel_loop3A_128 = arith.subf %parallel_loop3A_127, %parallel_loop3A_125 : vector<16xf32>
      %parallel_loop3A_129 = arith.constant 0 : i32
      %parallel_loop3A_130 = arith.index_cast %parallel_loop3A_129 : i32 to index
      %parallel_loop3A_131 = arith.index_cast %parallel_loop3A_106 : i32 to index
      %parallel_loop3A_132 = tpu.vector_load %arg14[%parallel_loop3A_130, %parallel_loop3A_131] {strides = array<i32>} : memref<2x2048xf32, #tpu.memory_space<vmem>>, vector<16xf32>,
      tpu.vector_store %arg14[%parallel_loop3A_130, %parallel_loop3A_131], %parallel_loop3A_128 {strides = array<i32>} : memref<2x2048xf32, #tpu.memory_space<vmem>>, vector<16xf32>,
      %parallel_loop3A_133 = arith.constant 1.000000e+00 : f32
      %parallel_loop3A_134 = vector.broadcast %parallel_loop3A_133 : f32 to vector<16xf32>
      %parallel_loop3A_135 = arith.addf %parallel_loop3A_134, %parallel_loop3A_121 : vector<16xf32>
      %parallel_loop3A_136 = arith.mulf %parallel_loop3A_135, %parallel_loop3A_125 : vector<16xf32>
      %parallel_loop3A_137 = arith.constant 1.000000e+00 : f32
      %parallel_loop3A_138 = vector.broadcast %parallel_loop3A_137 : f32 to vector<16xf32>
      %parallel_loop3A_139 = arith.subf %parallel_loop3A_138, %parallel_loop3A_136 : vector<16xf32>
      %parallel_loop3A_140 = arith.constant 1 : i32
      %parallel_loop3A_141 = arith.index_cast %parallel_loop3A_140 : i32 to index
      %parallel_loop3A_142 = arith.index_cast %parallel_loop3A_106 : i32 to index
      %parallel_loop3A_143 = tpu.vector_load %arg14[%parallel_loop3A_141, %parallel_loop3A_142] {strides = array<i32>} : memref<2x2048xf32, #tpu.memory_space<vmem>>, vector<16xf32>,
      tpu.vector_store %arg14[%parallel_loop3A_141, %parallel_loop3A_142], %parallel_loop3A_139 {strides = array<i32>} : memref<2x2048xf32, #tpu.memory_space<vmem>>, vector<16xf32>,
    } {sc.loop_unroll_factor = 8 : i64, sc.parallel_access}
    %add3A_34 = arith.constant 0 : i32
    %add3A_35 = arith.addi %mul3A_5, %add3A_34 : i32
    %dma_start3A_36 = arith.constant 0 : i32
    %dma_start3A_37 = tpu.memref_slice %arg6[%dma_start3A_36, %add3A_35] : memref<2x6400000xf32, #tpu.memory_space<hbm>> -> memref<2x2048xf32, #tpu.memory_space<hbm>>
    %dma_start3A_38 = arith.constant 0 : i32
    %dma_start3A_39 = tpu.memref_slice %arg6[%dma_start3A_38, %add3A_35] : memref<2x6400000xf32, #tpu.memory_space<hbm>> -> memref<2x2048xf32, #tpu.memory_space<hbm>>
    tpu.enqueue_dma source(%arg14 : memref<2x2048xf32, #tpu.memory_space<vmem>>) target(%dma_start3A_39 : memref<2x2048xf32, #tpu.memory_space<hbm>>) target_semaphore(%arg19 : memref<!tpu.dma_semaphore, #tpu.memory_space<semaphore_mem>>)
    %add3A_40 = arith.constant 4096 : i32
    %add3A_41 = arith.addi %mul3A_5, %add3A_40 : i32
    %dma_start3A_42 = tpu.memref_slice %arg3[%add3A_41] : memref<6400000xi32, #tpu.memory_space<hbm>> -> memref<2048xi32, #tpu.memory_space<hbm>>
    %dma_start3A_43 = tpu.memref_slice %arg3[%add3A_41] : memref<6400000xi32, #tpu.memory_space<hbm>> -> memref<2048xi32, #tpu.memory_space<hbm>>
    tpu.enqueue_dma source(%dma_start3A_43 : memref<2048xi32, #tpu.memory_space<hbm>>) target(%arg8 : memref<2048xi32, #tpu.memory_space<vmem>>) target_semaphore(%arg17 : memref<!tpu.dma_semaphore, #tpu.memory_space<semaphore_mem>>)
    %dma_start3A_44 = tpu.memref_slice %arg4[%add3A_41] : memref<6400000xi32, #tpu.memory_space<hbm>> -> memref<2048xi32, #tpu.memory_space<hbm>>
    %dma_start3A_45 = tpu.memref_slice %arg4[%add3A_41] : memref<6400000xi32, #tpu.memory_space<hbm>> -> memref<2048xi32, #tpu.memory_space<hbm>>
    tpu.enqueue_dma source(%dma_start3A_45 : memref<2048xi32, #tpu.memory_space<hbm>>) target(%arg10 : memref<2048xi32, #tpu.memory_space<vmem>>) target_semaphore(%arg17 : memref<!tpu.dma_semaphore, #tpu.memory_space<semaphore_mem>>)
    %dma_start3A_46 = tpu.memref_slice %arg5[%add3A_41] : memref<6400000xf32, #tpu.memory_space<hbm>> -> memref<2048xf32, #tpu.memory_space<hbm>>
    %dma_start3A_47 = tpu.memref_slice %arg5[%add3A_41] : memref<6400000xf32, #tpu.memory_space<hbm>> -> memref<2048xf32, #tpu.memory_space<hbm>>
    tpu.enqueue_dma source(%dma_start3A_47 : memref<2048xf32, #tpu.memory_space<hbm>>) target(%arg12 : memref<2048xf32, #tpu.memory_space<vmem>>) target_semaphore(%arg17 : memref<!tpu.dma_semaphore, #tpu.memory_space<semaphore_mem>>)
    %add3A_48 = arith.constant 2048 : i32
    %add3A_49 = arith.addi %mul3A_5, %add3A_48 : i32
    %dma_wait3A_50 = tpu.memref_slice %arg3[%add3A_49] : memref<6400000xi32, #tpu.memory_space<hbm>> -> memref<2048xi32, #tpu.memory_space<hbm>>
    %dma_wait3A_51 = tpu.memref_slice %arg3[%add3A_49] : memref<6400000xi32, #tpu.memory_space<hbm>> -> memref<2048xi32, #tpu.memory_space<hbm>>
    tpu.wait_dma2 semaphore(%arg18 : memref<!tpu.dma_semaphore, #tpu.memory_space<semaphore_mem>>) src(%dma_wait3A_51 : memref<2048xi32, #tpu.memory_space<hbm>>) dst(%arg9 : memref<2048xi32, #tpu.memory_space<vmem>>)
    %dma_wait3A_52 = tpu.memref_slice %arg4[%add3A_49] : memref<6400000xi32, #tpu.memory_space<hbm>> -> memref<2048xi32, #tpu.memory_space<hbm>>
    %dma_wait3A_53 = tpu.memref_slice %arg4[%add3A_49] : memref<6400000xi32, #tpu.memory_space<hbm>> -> memref<2048xi32, #tpu.memory_space<hbm>>
    tpu.wait_dma2 semaphore(%arg18 : memref<!tpu.dma_semaphore, #tpu.memory_space<semaphore_mem>>) src(%dma_wait3A_53 : memref<2048xi32, #tpu.memory_space<hbm>>) dst(%arg11 : memref<2048xi32, #tpu.memory_space<vmem>>)
    %dma_wait3A_54 = tpu.memref_slice %arg5[%add3A_49] : memref<6400000xf32, #tpu.memory_space<hbm>> -> memref<2048xf32, #tpu.memory_space<hbm>>
    %dma_wait3A_55 = tpu.memref_slice %arg5[%add3A_49] : memref<6400000xf32, #tpu.memory_space<hbm>> -> memref<2048xf32, #tpu.memory_space<hbm>>
    tpu.wait_dma2 semaphore(%arg18 : memref<!tpu.dma_semaphore, #tpu.memory_space<semaphore_mem>>) src(%dma_wait3A_55 : memref<2048xf32, #tpu.memory_space<hbm>>) dst(%arg13 : memref<2048xf32, #tpu.memory_space<vmem>>)
    %parallel_loop3A_56 = arith.constant 0 : i32
    %parallel_loop3A_57 = arith.constant 2048 : i32
    %parallel_loop3A_58 = arith.constant 16 : i32
    scf.for %parallel_loop3A_106 = %parallel_loop3A_56 to %parallel_loop3A_57 step %parallel_loop3A_58  : i32 {
      %parallel_loop3A_107 = arith.index_cast %parallel_loop3A_106 : i32 to index
      %parallel_loop3A_108 = tpu.vector_load %arg9[%parallel_loop3A_107] {strides = array<i32>} : memref<2048xi32, #tpu.memory_space<vmem>>, vector<16xi32>,
      %parallel_loop3A_109 = arith.index_cast %parallel_loop3A_106 : i32 to index
      %parallel_loop3A_110 = tpu.vector_load %arg11[%parallel_loop3A_109] {strides = array<i32>} : memref<2048xi32, #tpu.memory_space<vmem>>, vector<16xi32>,
      %parallel_loop3A_111 = tpu.vector_load_idx %arg7[%parallel_loop3A_108] : memref<100000xf32, #tpu.memory_space<vmem>>[vector<16xi32>], vector<16xf32>,
      %parallel_loop3A_112 = tpu.vector_load_idx %arg7[%parallel_loop3A_110] : memref<100000xf32, #tpu.memory_space<vmem>>[vector<16xi32>], vector<16xf32>,
      %parallel_loop3A_113 = arith.index_cast %parallel_loop3A_106 : i32 to index
      %parallel_loop3A_114 = tpu.vector_load %arg13[%parallel_loop3A_113] {strides = array<i32>} : memref<2048xf32, #tpu.memory_space<vmem>>, vector<16xf32>,
      %parallel_loop3A_115 = arith.constant 3.900000e-01 : f32
      %parallel_loop3A_116 = vector.broadcast %parallel_loop3A_115 : f32 to vector<16xf32>
      %parallel_loop3A_117 = arith.mulf %parallel_loop3A_116, %parallel_loop3A_114 : vector<16xf32>
      %parallel_loop3A_118 = arith.mulf %parallel_loop3A_114, %parallel_loop3A_114 : vector<16xf32>
      %parallel_loop3A_119 = arith.mulf %parallel_loop3A_117, %parallel_loop3A_118 : vector<16xf32>
      %parallel_loop3A_120 = arith.mulf %parallel_loop3A_111, %parallel_loop3A_112 : vector<16xf32>
      %parallel_loop3A_121 = arith.mulf %parallel_loop3A_119, %parallel_loop3A_120 : vector<16xf32>
      %parallel_loop3A_122 = arith.constant 0.000000e+00 : f32
      %parallel_loop3A_123 = vector.broadcast %parallel_loop3A_122 : f32 to vector<16xf32>
      %parallel_loop3A_124 = arith.subf %parallel_loop3A_123, %parallel_loop3A_121 : vector<16xf32>
      %parallel_loop3A_125 = math.exp %parallel_loop3A_124 : vector<16xf32>
      %parallel_loop3A_126 = arith.constant 1.000000e+00 : f32
      %parallel_loop3A_127 = vector.broadcast %parallel_loop3A_126 : f32 to vector<16xf32>
      %parallel_loop3A_128 = arith.subf %parallel_loop3A_127, %parallel_loop3A_125 : vector<16xf32>
      %parallel_loop3A_129 = arith.constant 0 : i32
      %parallel_loop3A_130 = arith.index_cast %parallel_loop3A_129 : i32 to index
      %parallel_loop3A_131 = arith.index_cast %parallel_loop3A_106 : i32 to index
      %parallel_loop3A_132 = tpu.vector_load %arg15[%parallel_loop3A_130, %parallel_loop3A_131] {strides = array<i32>} : memref<2x2048xf32, #tpu.memory_space<vmem>>, vector<16xf32>,
      tpu.vector_store %arg15[%parallel_loop3A_130, %parallel_loop3A_131], %parallel_loop3A_128 {strides = array<i32>} : memref<2x2048xf32, #tpu.memory_space<vmem>>, vector<16xf32>,
      %parallel_loop3A_133 = arith.constant 1.000000e+00 : f32
      %parallel_loop3A_134 = vector.broadcast %parallel_loop3A_133 : f32 to vector<16xf32>
      %parallel_loop3A_135 = arith.addf %parallel_loop3A_134, %parallel_loop3A_121 : vector<16xf32>
      %parallel_loop3A_136 = arith.mulf %parallel_loop3A_135, %parallel_loop3A_125 : vector<16xf32>
      %parallel_loop3A_137 = arith.constant 1.000000e+00 : f32
      %parallel_loop3A_138 = vector.broadcast %parallel_loop3A_137 : f32 to vector<16xf32>
      %parallel_loop3A_139 = arith.subf %parallel_loop3A_138, %parallel_loop3A_136 : vector<16xf32>
      %parallel_loop3A_140 = arith.constant 1 : i32
      %parallel_loop3A_141 = arith.index_cast %parallel_loop3A_140 : i32 to index
      %parallel_loop3A_142 = arith.index_cast %parallel_loop3A_106 : i32 to index
      %parallel_loop3A_143 = tpu.vector_load %arg15[%parallel_loop3A_141, %parallel_loop3A_142] {strides = array<i32>} : memref<2x2048xf32, #tpu.memory_space<vmem>>, vector<16xf32>,
      tpu.vector_store %arg15[%parallel_loop3A_141, %parallel_loop3A_142], %parallel_loop3A_139 {strides = array<i32>} : memref<2x2048xf32, #tpu.memory_space<vmem>>, vector<16xf32>,
    } {sc.loop_unroll_factor = 8 : i64, sc.parallel_access}
    %add3A_59 = arith.constant 2048 : i32
    %add3A_60 = arith.addi %mul3A_5, %add3A_59 : i32
    %dma_start3A_61 = arith.constant 0 : i32
    %dma_start3A_62 = tpu.memref_slice %arg6[%dma_start3A_61, %add3A_60] : memref<2x6400000xf32, #tpu.memory_space<hbm>> -> memref<2x2048xf32, #tpu.memory_space<hbm>>
    %dma_start3A_63 = arith.constant 0 : i32
    %dma_start3A_64 = tpu.memref_slice %arg6[%dma_start3A_63, %add3A_60] : memref<2x6400000xf32, #tpu.memory_space<hbm>> -> memref<2x2048xf32, #tpu.memory_space<hbm>>
    tpu.enqueue_dma source(%arg15 : memref<2x2048xf32, #tpu.memory_space<vmem>>) target(%dma_start3A_64 : memref<2x2048xf32, #tpu.memory_space<hbm>>) target_semaphore(%arg20 : memref<!tpu.dma_semaphore, #tpu.memory_space<semaphore_mem>>)
    %add3A_65 = arith.constant 6144 : i32
    %add3A_66 = arith.addi %mul3A_5, %add3A_65 : i32
    %dma_start3A_67 = tpu.memref_slice %arg3[%add3A_66] : memref<6400000xi32, #tpu.memory_space<hbm>> -> memref<2048xi32, #tpu.memory_space<hbm>>
    %dma_start3A_68 = tpu.memref_slice %arg3[%add3A_66] : memref<6400000xi32, #tpu.memory_space<hbm>> -> memref<2048xi32, #tpu.memory_space<hbm>>
    tpu.enqueue_dma source(%dma_start3A_68 : memref<2048xi32, #tpu.memory_space<hbm>>) target(%arg9 : memref<2048xi32, #tpu.memory_space<vmem>>) target_semaphore(%arg18 : memref<!tpu.dma_semaphore, #tpu.memory_space<semaphore_mem>>)
    %dma_start3A_69 = tpu.memref_slice %arg4[%add3A_66] : memref<6400000xi32, #tpu.memory_space<hbm>> -> memref<2048xi32, #tpu.memory_space<hbm>>
    %dma_start3A_70 = tpu.memref_slice %arg4[%add3A_66] : memref<6400000xi32, #tpu.memory_space<hbm>> -> memref<2048xi32, #tpu.memory_space<hbm>>
    tpu.enqueue_dma source(%dma_start3A_70 : memref<2048xi32, #tpu.memory_space<hbm>>) target(%arg11 : memref<2048xi32, #tpu.memory_space<vmem>>) target_semaphore(%arg18 : memref<!tpu.dma_semaphore, #tpu.memory_space<semaphore_mem>>)
    %dma_start3A_71 = tpu.memref_slice %arg5[%add3A_66] : memref<6400000xf32, #tpu.memory_space<hbm>> -> memref<2048xf32, #tpu.memory_space<hbm>>
    %dma_start3A_72 = tpu.memref_slice %arg5[%add3A_66] : memref<6400000xf32, #tpu.memory_space<hbm>> -> memref<2048xf32, #tpu.memory_space<hbm>>
    tpu.enqueue_dma source(%dma_start3A_72 : memref<2048xf32, #tpu.memory_space<hbm>>) target(%arg13 : memref<2048xf32, #tpu.memory_space<vmem>>) target_semaphore(%arg18 : memref<!tpu.dma_semaphore, #tpu.memory_space<semaphore_mem>>)
    %scan3A = arith.constant 0 : i32
    %scan3A_73 = arith.constant 1 : i32
    %scan3A_74 = arith.constant 48 : i32
    %scan3A_75 = arith.addi %scan3A_73, %scan3A_74 : i32
    %scan3A_76 = arith.constant 1 : i32
    scf.for %scan3A_106 = %scan3A_73 to %scan3A_75 step %scan3A_76  : i32 {
      %mul3A_107 = arith.constant 2 : i32
      %mul3A_108 = arith.muli %mul3A_107, %scan3A_106 : i32
      %add3A_109 = arith.constant 0 : i32
      %add3A_110 = arith.addi %mul3A_108, %add3A_109 : i32
      %mul3A_111 = arith.constant 2048 : i32
      %mul3A_112 = arith.muli %add3A_110, %mul3A_111 : i32
      %add3A_113 = arith.addi %mul3A_5, %mul3A_112 : i32
      %dma_wait3A_114 = tpu.memref_slice %arg3[%add3A_113] : memref<6400000xi32, #tpu.memory_space<hbm>> -> memref<2048xi32, #tpu.memory_space<hbm>>
      %dma_wait3A_115 = tpu.memref_slice %arg3[%add3A_113] : memref<6400000xi32, #tpu.memory_space<hbm>> -> memref<2048xi32, #tpu.memory_space<hbm>>
      tpu.wait_dma2 semaphore(%arg17 : memref<!tpu.dma_semaphore, #tpu.memory_space<semaphore_mem>>) src(%dma_wait3A_115 : memref<2048xi32, #tpu.memory_space<hbm>>) dst(%arg8 : memref<2048xi32, #tpu.memory_space<vmem>>)
      %dma_wait3A_116 = tpu.memref_slice %arg4[%add3A_113] : memref<6400000xi32, #tpu.memory_space<hbm>> -> memref<2048xi32, #tpu.memory_space<hbm>>
      %dma_wait3A_117 = tpu.memref_slice %arg4[%add3A_113] : memref<6400000xi32, #tpu.memory_space<hbm>> -> memref<2048xi32, #tpu.memory_space<hbm>>
      tpu.wait_dma2 semaphore(%arg17 : memref<!tpu.dma_semaphore, #tpu.memory_space<semaphore_mem>>) src(%dma_wait3A_117 : memref<2048xi32, #tpu.memory_space<hbm>>) dst(%arg10 : memref<2048xi32, #tpu.memory_space<vmem>>)
      %dma_wait3A_118 = tpu.memref_slice %arg5[%add3A_113] : memref<6400000xf32, #tpu.memory_space<hbm>> -> memref<2048xf32, #tpu.memory_space<hbm>>
      %dma_wait3A_119 = tpu.memref_slice %arg5[%add3A_113] : memref<6400000xf32, #tpu.memory_space<hbm>> -> memref<2048xf32, #tpu.memory_space<hbm>>
      tpu.wait_dma2 semaphore(%arg17 : memref<!tpu.dma_semaphore, #tpu.memory_space<semaphore_mem>>) src(%dma_wait3A_119 : memref<2048xf32, #tpu.memory_space<hbm>>) dst(%arg12 : memref<2048xf32, #tpu.memory_space<vmem>>)
      %sub3A = arith.constant 2 : i32
      %sub3A_120 = arith.subi %add3A_110, %sub3A : i32
      %mul3A_121 = arith.constant 2048 : i32
      %mul3A_122 = arith.muli %sub3A_120, %mul3A_121 : i32
      %add3A_123 = arith.addi %mul3A_5, %mul3A_122 : i32
      %dma_wait3A_124 = arith.constant 0 : i32
      %dma_wait3A_125 = tpu.memref_slice %arg6[%dma_wait3A_124, %add3A_123] : memref<2x6400000xf32, #tpu.memory_space<hbm>> -> memref<2x2048xf32, #tpu.memory_space<hbm>>
      %dma_wait3A_126 = arith.constant 0 : i32
      %dma_wait3A_127 = tpu.memref_slice %arg6[%dma_wait3A_126, %add3A_123] : memref<2x6400000xf32, #tpu.memory_space<hbm>> -> memref<2x2048xf32, #tpu.memory_space<hbm>>
      tpu.wait_dma2 semaphore(%arg19 : memref<!tpu.dma_semaphore, #tpu.memory_space<semaphore_mem>>) src(%arg14 : memref<2x2048xf32, #tpu.memory_space<vmem>>) dst(%dma_wait3A_127 : memref<2x2048xf32, #tpu.memory_space<hbm>>)
      %parallel_loop3A_128 = arith.constant 0 : i32
      %parallel_loop3A_129 = arith.constant 2048 : i32
      %parallel_loop3A_130 = arith.constant 16 : i32
      scf.for %parallel_loop3A_201 = %parallel_loop3A_128 to %parallel_loop3A_129 step %parallel_loop3A_130  : i32 {
        %parallel_loop3A_202 = arith.index_cast %parallel_loop3A_201 : i32 to index
        %parallel_loop3A_203 = tpu.vector_load %arg8[%parallel_loop3A_202] {strides = array<i32>} : memref<2048xi32, #tpu.memory_space<vmem>>, vector<16xi32>,
        %parallel_loop3A_204 = arith.index_cast %parallel_loop3A_201 : i32 to index
        %parallel_loop3A_205 = tpu.vector_load %arg10[%parallel_loop3A_204] {strides = array<i32>} : memref<2048xi32, #tpu.memory_space<vmem>>, vector<16xi32>,
        %parallel_loop3A_206 = tpu.vector_load_idx %arg7[%parallel_loop3A_203] : memref<100000xf32, #tpu.memory_space<vmem>>[vector<16xi32>], vector<16xf32>,
        %parallel_loop3A_207 = tpu.vector_load_idx %arg7[%parallel_loop3A_205] : memref<100000xf32, #tpu.memory_space<vmem>>[vector<16xi32>], vector<16xf32>,
        %parallel_loop3A_208 = arith.index_cast %parallel_loop3A_201 : i32 to index
        %parallel_loop3A_209 = tpu.vector_load %arg12[%parallel_loop3A_208] {strides = array<i32>} : memref<2048xf32, #tpu.memory_space<vmem>>, vector<16xf32>,
        %parallel_loop3A_210 = arith.constant 3.900000e-01 : f32
        %parallel_loop3A_211 = vector.broadcast %parallel_loop3A_210 : f32 to vector<16xf32>
        %parallel_loop3A_212 = arith.mulf %parallel_loop3A_211, %parallel_loop3A_209 : vector<16xf32>
        %parallel_loop3A_213 = arith.mulf %parallel_loop3A_209, %parallel_loop3A_209 : vector<16xf32>
        %parallel_loop3A_214 = arith.mulf %parallel_loop3A_212, %parallel_loop3A_213 : vector<16xf32>
        %parallel_loop3A_215 = arith.mulf %parallel_loop3A_206, %parallel_loop3A_207 : vector<16xf32>
        %parallel_loop3A_216 = arith.mulf %parallel_loop3A_214, %parallel_loop3A_215 : vector<16xf32>
        %parallel_loop3A_217 = arith.constant 0.000000e+00 : f32
        %parallel_loop3A_218 = vector.broadcast %parallel_loop3A_217 : f32 to vector<16xf32>
        %parallel_loop3A_219 = arith.subf %parallel_loop3A_218, %parallel_loop3A_216 : vector<16xf32>
        %parallel_loop3A_220 = math.exp %parallel_loop3A_219 : vector<16xf32>
        %parallel_loop3A_221 = arith.constant 1.000000e+00 : f32
        %parallel_loop3A_222 = vector.broadcast %parallel_loop3A_221 : f32 to vector<16xf32>
        %parallel_loop3A_223 = arith.subf %parallel_loop3A_222, %parallel_loop3A_220 : vector<16xf32>
        %parallel_loop3A_224 = arith.constant 0 : i32
        %parallel_loop3A_225 = arith.index_cast %parallel_loop3A_224 : i32 to index
        %parallel_loop3A_226 = arith.index_cast %parallel_loop3A_201 : i32 to index
        %parallel_loop3A_227 = tpu.vector_load %arg14[%parallel_loop3A_225, %parallel_loop3A_226] {strides = array<i32>} : memref<2x2048xf32, #tpu.memory_space<vmem>>, vector<16xf32>,
        tpu.vector_store %arg14[%parallel_loop3A_225, %parallel_loop3A_226], %parallel_loop3A_223 {strides = array<i32>} : memref<2x2048xf32, #tpu.memory_space<vmem>>, vector<16xf32>,
        %parallel_loop3A_228 = arith.constant 1.000000e+00 : f32
        %parallel_loop3A_229 = vector.broadcast %parallel_loop3A_228 : f32 to vector<16xf32>
        %parallel_loop3A_230 = arith.addf %parallel_loop3A_229, %parallel_loop3A_216 : vector<16xf32>
        %parallel_loop3A_231 = arith.mulf %parallel_loop3A_230, %parallel_loop3A_220 : vector<16xf32>
        %parallel_loop3A_232 = arith.constant 1.000000e+00 : f32
        %parallel_loop3A_233 = vector.broadcast %parallel_loop3A_232 : f32 to vector<16xf32>
        %parallel_loop3A_234 = arith.subf %parallel_loop3A_233, %parallel_loop3A_231 : vector<16xf32>
        %parallel_loop3A_235 = arith.constant 1 : i32
        %parallel_loop3A_236 = arith.index_cast %parallel_loop3A_235 : i32 to index
        %parallel_loop3A_237 = arith.index_cast %parallel_loop3A_201 : i32 to index
        %parallel_loop3A_238 = tpu.vector_load %arg14[%parallel_loop3A_236, %parallel_loop3A_237] {strides = array<i32>} : memref<2x2048xf32, #tpu.memory_space<vmem>>, vector<16xf32>,
        tpu.vector_store %arg14[%parallel_loop3A_236, %parallel_loop3A_237], %parallel_loop3A_234 {strides = array<i32>} : memref<2x2048xf32, #tpu.memory_space<vmem>>, vector<16xf32>,
      } {sc.loop_unroll_factor = 8 : i64, sc.parallel_access}
      %mul3A_131 = arith.constant 2048 : i32
      %mul3A_132 = arith.muli %add3A_110, %mul3A_131 : i32
      %add3A_133 = arith.addi %mul3A_5, %mul3A_132 : i32
      %dma_start3A_134 = arith.constant 0 : i32
      %dma_start3A_135 = tpu.memref_slice %arg6[%dma_start3A_134, %add3A_133] : memref<2x6400000xf32, #tpu.memory_space<hbm>> -> memref<2x2048xf32, #tpu.memory_space<hbm>>
      %dma_start3A_136 = arith.constant 0 : i32
      %dma_start3A_137 = tpu.memref_slice %arg6[%dma_start3A_136, %add3A_133] : memref<2x6400000xf32, #tpu.memory_space<hbm>> -> memref<2x2048xf32, #tpu.memory_space<hbm>>
      tpu.enqueue_dma source(%arg14 : memref<2x2048xf32, #tpu.memory_space<vmem>>) target(%dma_start3A_137 : memref<2x2048xf32, #tpu.memory_space<hbm>>) target_semaphore(%arg19 : memref<!tpu.dma_semaphore, #tpu.memory_space<semaphore_mem>>)
      %add3A_138 = arith.constant 2 : i32
      %add3A_139 = arith.addi %add3A_110, %add3A_138 : i32
      %lt3A = arith.constant 98 : i32
      %lt3A_140 = arith.cmpi slt, %add3A_139, %lt3A : i32
      %add3A_141 = arith.constant 2 : i32
      %add3A_142 = arith.addi %add3A_110, %add3A_141 : i32
      %jit3A = arith.constant 0 : i32
      %select_n3A = arith.select %lt3A_140, %add3A_142, %jit3A : i32
      %mul3A_143 = arith.constant 2048 : i32
      %mul3A_144 = arith.muli %select_n3A, %mul3A_143 : i32
      %add3A_145 = arith.addi %mul3A_5, %mul3A_144 : i32
      %dma_start3A_146 = tpu.memref_slice %arg3[%add3A_145] : memref<6400000xi32, #tpu.memory_space<hbm>> -> memref<2048xi32, #tpu.memory_space<hbm>>
      %dma_start3A_147 = tpu.memref_slice %arg3[%add3A_145] : memref<6400000xi32, #tpu.memory_space<hbm>> -> memref<2048xi32, #tpu.memory_space<hbm>>
      tpu.enqueue_dma source(%dma_start3A_147 : memref<2048xi32, #tpu.memory_space<hbm>>) target(%arg8 : memref<2048xi32, #tpu.memory_space<vmem>>) target_semaphore(%arg17 : memref<!tpu.dma_semaphore, #tpu.memory_space<semaphore_mem>>)
      %dma_start3A_148 = tpu.memref_slice %arg4[%add3A_145] : memref<6400000xi32, #tpu.memory_space<hbm>> -> memref<2048xi32, #tpu.memory_space<hbm>>
      %dma_start3A_149 = tpu.memref_slice %arg4[%add3A_145] : memref<6400000xi32, #tpu.memory_space<hbm>> -> memref<2048xi32, #tpu.memory_space<hbm>>
      tpu.enqueue_dma source(%dma_start3A_149 : memref<2048xi32, #tpu.memory_space<hbm>>) target(%arg10 : memref<2048xi32, #tpu.memory_space<vmem>>) target_semaphore(%arg17 : memref<!tpu.dma_semaphore, #tpu.memory_space<semaphore_mem>>)
      %dma_start3A_150 = tpu.memref_slice %arg5[%add3A_145] : memref<6400000xf32, #tpu.memory_space<hbm>> -> memref<2048xf32, #tpu.memory_space<hbm>>
      %dma_start3A_151 = tpu.memref_slice %arg5[%add3A_145] : memref<6400000xf32, #tpu.memory_space<hbm>> -> memref<2048xf32, #tpu.memory_space<hbm>>
      tpu.enqueue_dma source(%dma_start3A_151 : memref<2048xf32, #tpu.memory_space<hbm>>) target(%arg12 : memref<2048xf32, #tpu.memory_space<vmem>>) target_semaphore(%arg17 : memref<!tpu.dma_semaphore, #tpu.memory_space<semaphore_mem>>)
      %mul3A_152 = arith.constant 2 : i32
      %mul3A_153 = arith.muli %mul3A_152, %scan3A_106 : i32
      %add3A_154 = arith.constant 1 : i32
      %add3A_155 = arith.addi %mul3A_153, %add3A_154 : i32
      %mul3A_156 = arith.constant 2048 : i32
      %mul3A_157 = arith.muli %add3A_155, %mul3A_156 : i32
      %add3A_158 = arith.addi %mul3A_5, %mul3A_157 : i32
      %dma_wait3A_159 = tpu.memref_slice %arg3[%add3A_158] : memref<6400000xi32, #tpu.memory_space<hbm>> -> memref<2048xi32, #tpu.memory_space<hbm>>
      %dma_wait3A_160 = tpu.memref_slice %arg3[%add3A_158] : memref<6400000xi32, #tpu.memory_space<hbm>> -> memref<2048xi32, #tpu.memory_space<hbm>>
      tpu.wait_dma2 semaphore(%arg18 : memref<!tpu.dma_semaphore, #tpu.memory_space<semaphore_mem>>) src(%dma_wait3A_160 : memref<2048xi32, #tpu.memory_space<hbm>>) dst(%arg9 : memref<2048xi32, #tpu.memory_space<vmem>>)
      %dma_wait3A_161 = tpu.memref_slice %arg4[%add3A_158] : memref<6400000xi32, #tpu.memory_space<hbm>> -> memref<2048xi32, #tpu.memory_space<hbm>>
      %dma_wait3A_162 = tpu.memref_slice %arg4[%add3A_158] : memref<6400000xi32, #tpu.memory_space<hbm>> -> memref<2048xi32, #tpu.memory_space<hbm>>
      tpu.wait_dma2 semaphore(%arg18 : memref<!tpu.dma_semaphore, #tpu.memory_space<semaphore_mem>>) src(%dma_wait3A_162 : memref<2048xi32, #tpu.memory_space<hbm>>) dst(%arg11 : memref<2048xi32, #tpu.memory_space<vmem>>)
      %dma_wait3A_163 = tpu.memref_slice %arg5[%add3A_158] : memref<6400000xf32, #tpu.memory_space<hbm>> -> memref<2048xf32, #tpu.memory_space<hbm>>
      %dma_wait3A_164 = tpu.memref_slice %arg5[%add3A_158] : memref<6400000xf32, #tpu.memory_space<hbm>> -> memref<2048xf32, #tpu.memory_space<hbm>>
      tpu.wait_dma2 semaphore(%arg18 : memref<!tpu.dma_semaphore, #tpu.memory_space<semaphore_mem>>) src(%dma_wait3A_164 : memref<2048xf32, #tpu.memory_space<hbm>>) dst(%arg13 : memref<2048xf32, #tpu.memory_space<vmem>>)
      %sub3A_165 = arith.constant 2 : i32
      %sub3A_166 = arith.subi %add3A_155, %sub3A_165 : i32
      %mul3A_167 = arith.constant 2048 : i32
      %mul3A_168 = arith.muli %sub3A_166, %mul3A_167 : i32
      %add3A_169 = arith.addi %mul3A_5, %mul3A_168 : i32
      %dma_wait3A_170 = arith.constant 0 : i32
      %dma_wait3A_171 = tpu.memref_slice %arg6[%dma_wait3A_170, %add3A_169] : memref<2x6400000xf32, #tpu.memory_space<hbm>> -> memref<2x2048xf32, #tpu.memory_space<hbm>>
      %dma_wait3A_172 = arith.constant 0 : i32
      %dma_wait3A_173 = tpu.memref_slice %arg6[%dma_wait3A_172, %add3A_169] : memref<2x6400000xf32, #tpu.memory_space<hbm>> -> memref<2x2048xf32, #tpu.memory_space<hbm>>
      tpu.wait_dma2 semaphore(%arg20 : memref<!tpu.dma_semaphore, #tpu.memory_space<semaphore_mem>>) src(%arg15 : memref<2x2048xf32, #tpu.memory_space<vmem>>) dst(%dma_wait3A_173 : memref<2x2048xf32, #tpu.memory_space<hbm>>)
      %parallel_loop3A_174 = arith.constant 0 : i32
      %parallel_loop3A_175 = arith.constant 2048 : i32
      %parallel_loop3A_176 = arith.constant 16 : i32
      scf.for %parallel_loop3A_201 = %parallel_loop3A_174 to %parallel_loop3A_175 step %parallel_loop3A_176  : i32 {
        %parallel_loop3A_202 = arith.index_cast %parallel_loop3A_201 : i32 to index
        %parallel_loop3A_203 = tpu.vector_load %arg9[%parallel_loop3A_202] {strides = array<i32>} : memref<2048xi32, #tpu.memory_space<vmem>>, vector<16xi32>,
        %parallel_loop3A_204 = arith.index_cast %parallel_loop3A_201 : i32 to index
        %parallel_loop3A_205 = tpu.vector_load %arg11[%parallel_loop3A_204] {strides = array<i32>} : memref<2048xi32, #tpu.memory_space<vmem>>, vector<16xi32>,
        %parallel_loop3A_206 = tpu.vector_load_idx %arg7[%parallel_loop3A_203] : memref<100000xf32, #tpu.memory_space<vmem>>[vector<16xi32>], vector<16xf32>,
        %parallel_loop3A_207 = tpu.vector_load_idx %arg7[%parallel_loop3A_205] : memref<100000xf32, #tpu.memory_space<vmem>>[vector<16xi32>], vector<16xf32>,
        %parallel_loop3A_208 = arith.index_cast %parallel_loop3A_201 : i32 to index
        %parallel_loop3A_209 = tpu.vector_load %arg13[%parallel_loop3A_208] {strides = array<i32>} : memref<2048xf32, #tpu.memory_space<vmem>>, vector<16xf32>,
        %parallel_loop3A_210 = arith.constant 3.900000e-01 : f32
        %parallel_loop3A_211 = vector.broadcast %parallel_loop3A_210 : f32 to vector<16xf32>
        %parallel_loop3A_212 = arith.mulf %parallel_loop3A_211, %parallel_loop3A_209 : vector<16xf32>
        %parallel_loop3A_213 = arith.mulf %parallel_loop3A_209, %parallel_loop3A_209 : vector<16xf32>
        %parallel_loop3A_214 = arith.mulf %parallel_loop3A_212, %parallel_loop3A_213 : vector<16xf32>
        %parallel_loop3A_215 = arith.mulf %parallel_loop3A_206, %parallel_loop3A_207 : vector<16xf32>
        %parallel_loop3A_216 = arith.mulf %parallel_loop3A_214, %parallel_loop3A_215 : vector<16xf32>
        %parallel_loop3A_217 = arith.constant 0.000000e+00 : f32
        %parallel_loop3A_218 = vector.broadcast %parallel_loop3A_217 : f32 to vector<16xf32>
        %parallel_loop3A_219 = arith.subf %parallel_loop3A_218, %parallel_loop3A_216 : vector<16xf32>
        %parallel_loop3A_220 = math.exp %parallel_loop3A_219 : vector<16xf32>
        %parallel_loop3A_221 = arith.constant 1.000000e+00 : f32
        %parallel_loop3A_222 = vector.broadcast %parallel_loop3A_221 : f32 to vector<16xf32>
        %parallel_loop3A_223 = arith.subf %parallel_loop3A_222, %parallel_loop3A_220 : vector<16xf32>
        %parallel_loop3A_224 = arith.constant 0 : i32
        %parallel_loop3A_225 = arith.index_cast %parallel_loop3A_224 : i32 to index
        %parallel_loop3A_226 = arith.index_cast %parallel_loop3A_201 : i32 to index
        %parallel_loop3A_227 = tpu.vector_load %arg15[%parallel_loop3A_225, %parallel_loop3A_226] {strides = array<i32>} : memref<2x2048xf32, #tpu.memory_space<vmem>>, vector<16xf32>,
        tpu.vector_store %arg15[%parallel_loop3A_225, %parallel_loop3A_226], %parallel_loop3A_223 {strides = array<i32>} : memref<2x2048xf32, #tpu.memory_space<vmem>>, vector<16xf32>,
        %parallel_loop3A_228 = arith.constant 1.000000e+00 : f32
        %parallel_loop3A_229 = vector.broadcast %parallel_loop3A_228 : f32 to vector<16xf32>
        %parallel_loop3A_230 = arith.addf %parallel_loop3A_229, %parallel_loop3A_216 : vector<16xf32>
        %parallel_loop3A_231 = arith.mulf %parallel_loop3A_230, %parallel_loop3A_220 : vector<16xf32>
        %parallel_loop3A_232 = arith.constant 1.000000e+00 : f32
        %parallel_loop3A_233 = vector.broadcast %parallel_loop3A_232 : f32 to vector<16xf32>
        %parallel_loop3A_234 = arith.subf %parallel_loop3A_233, %parallel_loop3A_231 : vector<16xf32>
        %parallel_loop3A_235 = arith.constant 1 : i32
        %parallel_loop3A_236 = arith.index_cast %parallel_loop3A_235 : i32 to index
        %parallel_loop3A_237 = arith.index_cast %parallel_loop3A_201 : i32 to index
        %parallel_loop3A_238 = tpu.vector_load %arg15[%parallel_loop3A_236, %parallel_loop3A_237] {strides = array<i32>} : memref<2x2048xf32, #tpu.memory_space<vmem>>, vector<16xf32>,
        tpu.vector_store %arg15[%parallel_loop3A_236, %parallel_loop3A_237], %parallel_loop3A_234 {strides = array<i32>} : memref<2x2048xf32, #tpu.memory_space<vmem>>, vector<16xf32>,
      } {sc.loop_unroll_factor = 8 : i64, sc.parallel_access}
      %mul3A_177 = arith.constant 2048 : i32
      %mul3A_178 = arith.muli %add3A_155, %mul3A_177 : i32
      %add3A_179 = arith.addi %mul3A_5, %mul3A_178 : i32
      %dma_start3A_180 = arith.constant 0 : i32
      %dma_start3A_181 = tpu.memref_slice %arg6[%dma_start3A_180, %add3A_179] : memref<2x6400000xf32, #tpu.memory_space<hbm>> -> memref<2x2048xf32, #tpu.memory_space<hbm>>
      %dma_start3A_182 = arith.constant 0 : i32
      %dma_start3A_183 = tpu.memref_slice %arg6[%dma_start3A_182, %add3A_179] : memref<2x6400000xf32, #tpu.memory_space<hbm>> -> memref<2x2048xf32, #tpu.memory_space<hbm>>
      tpu.enqueue_dma source(%arg15 : memref<2x2048xf32, #tpu.memory_space<vmem>>) target(%dma_start3A_183 : memref<2x2048xf32, #tpu.memory_space<hbm>>) target_semaphore(%arg20 : memref<!tpu.dma_semaphore, #tpu.memory_space<semaphore_mem>>)
      %add3A_184 = arith.constant 2 : i32
      %add3A_185 = arith.addi %add3A_155, %add3A_184 : i32
      %lt3A_186 = arith.constant 98 : i32
      %lt3A_187 = arith.cmpi slt, %add3A_185, %lt3A_186 : i32
      %add3A_188 = arith.constant 2 : i32
      %add3A_189 = arith.addi %add3A_155, %add3A_188 : i32
      %jit3A_190 = arith.constant 1 : i32
      %select_n3A_191 = arith.select %lt3A_187, %add3A_189, %jit3A_190 : i32
      %mul3A_192 = arith.constant 2048 : i32
      %mul3A_193 = arith.muli %select_n3A_191, %mul3A_192 : i32
      %add3A_194 = arith.addi %mul3A_5, %mul3A_193 : i32
      %dma_start3A_195 = tpu.memref_slice %arg3[%add3A_194] : memref<6400000xi32, #tpu.memory_space<hbm>> -> memref<2048xi32, #tpu.memory_space<hbm>>
      %dma_start3A_196 = tpu.memref_slice %arg3[%add3A_194] : memref<6400000xi32, #tpu.memory_space<hbm>> -> memref<2048xi32, #tpu.memory_space<hbm>>
      tpu.enqueue_dma source(%dma_start3A_196 : memref<2048xi32, #tpu.memory_space<hbm>>) target(%arg9 : memref<2048xi32, #tpu.memory_space<vmem>>) target_semaphore(%arg18 : memref<!tpu.dma_semaphore, #tpu.memory_space<semaphore_mem>>)
      %dma_start3A_197 = tpu.memref_slice %arg4[%add3A_194] : memref<6400000xi32, #tpu.memory_space<hbm>> -> memref<2048xi32, #tpu.memory_space<hbm>>
      %dma_start3A_198 = tpu.memref_slice %arg4[%add3A_194] : memref<6400000xi32, #tpu.memory_space<hbm>> -> memref<2048xi32, #tpu.memory_space<hbm>>
      tpu.enqueue_dma source(%dma_start3A_198 : memref<2048xi32, #tpu.memory_space<hbm>>) target(%arg11 : memref<2048xi32, #tpu.memory_space<vmem>>) target_semaphore(%arg18 : memref<!tpu.dma_semaphore, #tpu.memory_space<semaphore_mem>>)
      %dma_start3A_199 = tpu.memref_slice %arg5[%add3A_194] : memref<6400000xf32, #tpu.memory_space<hbm>> -> memref<2048xf32, #tpu.memory_space<hbm>>
      %dma_start3A_200 = tpu.memref_slice %arg5[%add3A_194] : memref<6400000xf32, #tpu.memory_space<hbm>> -> memref<2048xf32, #tpu.memory_space<hbm>>
      tpu.enqueue_dma source(%dma_start3A_200 : memref<2048xf32, #tpu.memory_space<hbm>>) target(%arg13 : memref<2048xf32, #tpu.memory_space<vmem>>) target_semaphore(%arg18 : memref<!tpu.dma_semaphore, #tpu.memory_space<semaphore_mem>>)
    }
    %scan3A_77 = arith.constant 48 : i32
    %add3A_78 = arith.constant 0 : i32
    %add3A_79 = arith.addi %mul3A_5, %add3A_78 : i32
    %dma_wait3A_80 = tpu.memref_slice %arg3[%add3A_79] : memref<6400000xi32, #tpu.memory_space<hbm>> -> memref<2048xi32, #tpu.memory_space<hbm>>
    %dma_wait3A_81 = tpu.memref_slice %arg3[%add3A_79] : memref<6400000xi32, #tpu.memory_space<hbm>> -> memref<2048xi32, #tpu.memory_space<hbm>>
    tpu.wait_dma2 semaphore(%arg17 : memref<!tpu.dma_semaphore, #tpu.memory_space<semaphore_mem>>) src(%dma_wait3A_81 : memref<2048xi32, #tpu.memory_space<hbm>>) dst(%arg8 : memref<2048xi32, #tpu.memory_space<vmem>>)
    %dma_wait3A_82 = tpu.memref_slice %arg4[%add3A_79] : memref<6400000xi32, #tpu.memory_space<hbm>> -> memref<2048xi32, #tpu.memory_space<hbm>>
    %dma_wait3A_83 = tpu.memref_slice %arg4[%add3A_79] : memref<6400000xi32, #tpu.memory_space<hbm>> -> memref<2048xi32, #tpu.memory_space<hbm>>
    tpu.wait_dma2 semaphore(%arg17 : memref<!tpu.dma_semaphore, #tpu.memory_space<semaphore_mem>>) src(%dma_wait3A_83 : memref<2048xi32, #tpu.memory_space<hbm>>) dst(%arg10 : memref<2048xi32, #tpu.memory_space<vmem>>)
    %dma_wait3A_84 = tpu.memref_slice %arg5[%add3A_79] : memref<6400000xf32, #tpu.memory_space<hbm>> -> memref<2048xf32, #tpu.memory_space<hbm>>
    %dma_wait3A_85 = tpu.memref_slice %arg5[%add3A_79] : memref<6400000xf32, #tpu.memory_space<hbm>> -> memref<2048xf32, #tpu.memory_space<hbm>>
    tpu.wait_dma2 semaphore(%arg17 : memref<!tpu.dma_semaphore, #tpu.memory_space<semaphore_mem>>) src(%dma_wait3A_85 : memref<2048xf32, #tpu.memory_space<hbm>>) dst(%arg12 : memref<2048xf32, #tpu.memory_space<vmem>>)
    %add3A_86 = arith.constant 196608 : i32
    %add3A_87 = arith.addi %mul3A_5, %add3A_86 : i32
    %dma_wait3A_88 = arith.constant 0 : i32
    %dma_wait3A_89 = tpu.memref_slice %arg6[%dma_wait3A_88, %add3A_87] : memref<2x6400000xf32, #tpu.memory_space<hbm>> -> memref<2x2048xf32, #tpu.memory_space<hbm>>
    %dma_wait3A_90 = arith.constant 0 : i32
    %dma_wait3A_91 = tpu.memref_slice %arg6[%dma_wait3A_90, %add3A_87] : memref<2x6400000xf32, #tpu.memory_space<hbm>> -> memref<2x2048xf32, #tpu.memory_space<hbm>>
    tpu.wait_dma2 semaphore(%arg19 : memref<!tpu.dma_semaphore, #tpu.memory_space<semaphore_mem>>) src(%arg14 : memref<2x2048xf32, #tpu.memory_space<vmem>>) dst(%dma_wait3A_91 : memref<2x2048xf32, #tpu.memory_space<hbm>>)
    %add3A_92 = arith.constant 2048 : i32
    %add3A_93 = arith.addi %mul3A_5, %add3A_92 : i32
    %dma_wait3A_94 = tpu.memref_slice %arg3[%add3A_93] : memref<6400000xi32, #tpu.memory_space<hbm>> -> memref<2048xi32, #tpu.memory_space<hbm>>
    %dma_wait3A_95 = tpu.memref_slice %arg3[%add3A_93] : memref<6400000xi32, #tpu.memory_space<hbm>> -> memref<2048xi32, #tpu.memory_space<hbm>>
    tpu.wait_dma2 semaphore(%arg18 : memref<!tpu.dma_semaphore, #tpu.memory_space<semaphore_mem>>) src(%dma_wait3A_95 : memref<2048xi32, #tpu.memory_space<hbm>>) dst(%arg9 : memref<2048xi32, #tpu.memory_space<vmem>>)
    %dma_wait3A_96 = tpu.memref_slice %arg4[%add3A_93] : memref<6400000xi32, #tpu.memory_space<hbm>> -> memref<2048xi32, #tpu.memory_space<hbm>>
    %dma_wait3A_97 = tpu.memref_slice %arg4[%add3A_93] : memref<6400000xi32, #tpu.memory_space<hbm>> -> memref<2048xi32, #tpu.memory_space<hbm>>
    tpu.wait_dma2 semaphore(%arg18 : memref<!tpu.dma_semaphore, #tpu.memory_space<semaphore_mem>>) src(%dma_wait3A_97 : memref<2048xi32, #tpu.memory_space<hbm>>) dst(%arg11 : memref<2048xi32, #tpu.memory_space<vmem>>)
    %dma_wait3A_98 = tpu.memref_slice %arg5[%add3A_93] : memref<6400000xf32, #tpu.memory_space<hbm>> -> memref<2048xf32, #tpu.memory_space<hbm>>
    %dma_wait3A_99 = tpu.memref_slice %arg5[%add3A_93] : memref<6400000xf32, #tpu.memory_space<hbm>> -> memref<2048xf32, #tpu.memory_space<hbm>>
    tpu.wait_dma2 semaphore(%arg18 : memref<!tpu.dma_semaphore, #tpu.memory_space<semaphore_mem>>) src(%dma_wait3A_99 : memref<2048xf32, #tpu.memory_space<hbm>>) dst(%arg13 : memref<2048xf32, #tpu.memory_space<vmem>>)
    %add3A_100 = arith.constant 198656 : i32
    %add3A_101 = arith.addi %mul3A_5, %add3A_100 : i32
    %dma_wait3A_102 = arith.constant 0 : i32
    %dma_wait3A_103 = tpu.memref_slice %arg6[%dma_wait3A_102, %add3A_101] : memref<2x6400000xf32, #tpu.memory_space<hbm>> -> memref<2x2048xf32, #tpu.memory_space<hbm>>
    %dma_wait3A_104 = arith.constant 0 : i32
    %dma_wait3A_105 = tpu.memref_slice %arg6[%dma_wait3A_104, %add3A_101] : memref<2x6400000xf32, #tpu.memory_space<hbm>> -> memref<2x2048xf32, #tpu.memory_space<hbm>>
    tpu.wait_dma2 semaphore(%arg20 : memref<!tpu.dma_semaphore, #tpu.memory_space<semaphore_mem>>) src(%arg15 : memref<2x2048xf32, #tpu.memory_space<vmem>>) dst(%dma_wait3A_105 : memref<2x2048xf32, #tpu.memory_space<hbm>>)
    return
  }
}

module attributes {stable_mosaic.version = 14 : i64} {
  func.func @_rsqrt_body(%arg0: memref<800x128xf32, #tpu.memory_space<vmem>>, %arg1: memref<800x128xf32, #tpu.memory_space<vmem>>) attributes {dimension_semantics = [], scalar_prefetch = 0 : i64, scratch_operands = 0 : i64, tpu.core_type = #tpu.core_type<tc>} {
    %get3A = arith.constant 0 : index
    %get3A_0 = arith.constant 0 : index
    %get3A_1 = vector.load %arg0[%get3A, %get3A_0] : memref<800x128xf32, #tpu.memory_space<vmem>>, vector<800x128xf32>
    %rsqrt3A = math.rsqrt %get3A_1 : vector<800x128xf32>
    %swap3A = arith.constant 0 : index
    %swap3A_2 = arith.constant 0 : index
    %swap3A_3 = vector.load %arg1[%swap3A, %swap3A_2] : memref<800x128xf32, #tpu.memory_space<vmem>>, vector<800x128xf32>
    tpu.vector_store %arg1[%swap3A, %swap3A_2], %rsqrt3A {strides = array<i32>} : memref<800x128xf32, #tpu.memory_space<vmem>>, vector<800x128xf32>,
    return
  }
}

</mosaic_0001>

<sc_bundles>
// kernel: kernel.4.cloned.1.call-start
scs
__scs_entry_jumppad:
0x0: {  	(pc) =	sbr.rel $0x88, $3  }
0x1: {  	(tag) =	ssettag $0x0;
	lr =	simm.s32 $0x1  }
0x2: {  	[smem:$0x3F9D] =	sst lr;
	_ =	strace $0xD0000000  }
0x3: {  	_ = 	snop  }
0x4: {  	_ = 	snop  }
0x5: {  	_ = 	snop  }
0x6: {  	_ = 	snop  }
0x7: {  	_ = 	snop  }
__scs_overlays_trampoline_lowered:
0x8: {  	[smem:$0x3FAC] =	sst s0  }
0x9: {  	[smem:$0x3FAD] =	sst s1  }
0xa: {  	[smem:$0x3FAE] =	sst s2  }
0xb: {  	[smem:$0x3FAF] =	sst s3  }
0xc: {  	[smem:$0x3FB0] =	sst s4  }
0xd: {  	[smem:$0x3FB1] =	sst s5  }
0xe: {  	[smem:$0x3FB2] =	sst s6  }
0xf: {  	[smem:$0x3FB3] =	sst s7  }
0x10: {  	[smem:$0x3FB4] =	sst s8  }
0x11: {  	[smem:$0x3FB5] =	sst s9;
	s0 =	simm.s32 @!p0 $0x0  }
0x12: {  	s1 =	sld [smem:$0x3F9B];
	s0 =	simm.s32 @p0 $0x1  }
0x13: {  	[smem:$0x3FB6] =	sst s0;
	s0 =	simm.s32 @!p1 $0x0  }
0x14: {  	s2 =	sld [smem:$0x3F9A];
	s0 =	simm.s32 @p1 $0x1  }
0x15: {  	[smem:$0x3FB7] =	sst s0;
	s0 =	simm.s32 @!p2 $0x0  }
0x16: {  	s3 =	sld [smem:$0x3FDB];
	s0 =	simm.s32 @p2 $0x1  }
0x17: {  	s4 =	simm.s32 $0x1BF5;
	[smem:$0x3FB9] =	sst s0  }
0x18: {  	s0 =	sld [smem:$0x3F9C];
	_ =	swait.ge [sflag:s4], $0x0  }
0x19: {  	s7 =	sld [smem:$0x3F9D]  }
0x1a: {  	s8 =	sadd.s32 $0xFFFFE003, lr  }
0x1b: {  	s9 =	sadd.s32 $0xFFFFFEF7, lr;
	s5 =	simm.s32 $0xFFFFFFFF;
	p2 =	slt.u32 s8, $0xFFFFF086  }
0x1c: {  	p1 =	slt.u32 s9, $0xF7A;
	s5 =	simm.s32 @!p2 $0x0  }
0x1d: {  	s5 =	simm.s32 @p1 $0x1;
	p0 =	seq.s32 s7, s2  }
0x1e: {  	s7 =	smul.u32 @!p0 $0xF7A, s2;
	p2 =	seq.s32 @!p0 s5, $0x0  }
0x1f: {  	s9 =	smul.u32 $0xF7A, s1;
	s8 =	simm.s32 @!p0 $0x1BF5;
	p2 =	por !p2, p0  }
0x20: {  	[sflag:s8] =	ssyncset.s32 @!p0 $0xFFFFF086;
	s6 =	sadd.s32 @!p0 s3, s7;
	s7 =	simm.s32 @!p0 $0x108  }
0x21: {  	s3 =	sadd.s32 s3, s9;
	s6 =	sadd.s32 @!p0 $0x88, s6;
	s7 =	simm.s32 @p2 $0x1082  }
0x22: {  	[simem:s7], [sflag:s8] =	dma.local @!p0 [hbm:s6], $0xF7A  }
0x23: {  	s9 =	sor.u32 $0xD0000000, s2;
	s6 =	simm.s32 $0x108;
	_ =	swait.ge @!p0 [sflag:s8], $0x0  }
0x24: {  	s3 =	sadd.s32 $0x88, s3;
	s6 =	simm.s32 @!p1 $0x1082;
	[sflag:s4] =	ssyncset.s32 $0xFFFFF086  }
0x25: {  	[simem:s6], [sflag:s4] =	dma.local [hbm:s3], $0xF7A  }
0x26: {  	[smem:$0x3F9D] =	sst s1;
	(tag) =	ssettag s2;
	_ =	strace s9  }
0x27: {  	s1 =	sld [smem:$0x3FAD]  }
0x28: {  	s2 =	sld [smem:$0x3FAE]  }
0x29: {  	s4 =	sld [smem:$0x3FB0]  }
0x2a: {  	p0 =	seq.s32 s5, $0x0;
	s5 =	sld [smem:$0x3FB1]  }
0x2b: {  	s6 =	sld [smem:$0x3FB2]  }
0x2c: {  	s7 =	sld [smem:$0x3FB3]  }
0x2d: {  	s3 =	simm.s32 $0x108;
	s8 =	sld [smem:$0x3FB4]  }
0x2e: {  	s3 =	simm.s32 @!p0 $0x1082;
	s9 =	sld [smem:$0x3FB5]  }
0x2f: {  	lr =	sadd.s32 s0, s3;
	s0 =	sld [smem:$0x3FAC]  }
0x30: {  	s3 =	sld [smem:$0x3FAF]  }
0x31: {  	[smem:$0x3FB8] =	sst s10  }
0x32: {  	s10 =	sld [smem:$0x3FB6];
	_ =	sdelay $0x3  }
0x33: {  	p0 =	seq.s32 s10, $0x1;
	s10 =	sld [smem:$0x3FB8];
	_ =	sdelay $0x3  }
0x34: {  	[smem:$0x3FB8] =	sst s10  }
0x35: {  	s10 =	sld [smem:$0x3FB7];
	_ =	sdelay $0x3  }
0x36: {  	p1 =	seq.s32 s10, $0x1;
	s10 =	sld [smem:$0x3FB8];
	_ =	sdelay $0x3  }
0x37: {  	[smem:$0x3FB8] =	sst s10  }
0x38: {  	s10 =	sld [smem:$0x3FB9]  }
0x39: {  	_ = 	snop;
	(pc) =	sbr.ind lr, $3  }
0x3a: {  	_ = 	snop  }
0x3b: {  	_ = 	snop  }
0x3c: {  	p2 =	seq.s32 s10, $0x1;
	s10 =	sld [smem:$0x3FB8]  }
0x3d: {  	_ =	shalt  }
0x3e: {  	_ =	shalt  }
0x3f: {  	_ =	shalt  }
0x40: {  	_ =	shalt  }
0x41: {  	_ =	shalt  }
0x42: {  	_ =	shalt  }
0x43: {  	_ =	shalt  }
0x44: {  	_ =	shalt  }
0x45: {  	_ =	shalt  }
0x46: {  	_ =	shalt  }
0x47: {  	_ =	shalt  }
0x48: {  	_ =	shalt  }
0x49: {  	_ =	shalt  }
0x4a: {  	_ =	shalt  }
0x4b: {  	_ =	shalt  }
0x4c: {  	_ =	shalt  }
0x4d: {  	_ =	shalt  }
0x4e: {  	_ =	shalt  }
0x4f: {  	_ =	shalt  }
0x50: {  	_ =	shalt  }
0x51: {  	_ =	shalt  }
0x52: {  	_ =	shalt  }
0x53: {  	_ =	shalt  }
0x54: {  	_ =	shalt  }
0x55: {  	_ =	shalt  }
0x56: {  	_ =	shalt  }
0x57: {  	_ =	shalt  }
0x58: {  	_ =	shalt  }
0x59: {  	_ =	shalt  }
0x5a: {  	_ =	shalt  }
0x5b: {  	_ =	shalt  }
0x5c: {  	_ =	shalt  }
0x5d: {  	_ =	shalt  }
0x5e: {  	_ =	shalt  }
0x5f: {  	_ =	shalt  }
0x60: {  	_ =	shalt  }
0x61: {  	_ =	shalt  }
0x62: {  	_ =	shalt  }
0x63: {  	_ =	shalt  }
0x64: {  	_ =	shalt  }
0x65: {  	_ =	shalt  }
0x66: {  	_ =	shalt  }
0x67: {  	_ =	shalt  }
0x68: {  	_ =	shalt  }
0x69: {  	_ =	shalt  }
0x6a: {  	_ =	shalt  }
0x6b: {  	_ =	shalt  }
0x6c: {  	_ =	shalt  }
0x6d: {  	_ =	shalt  }
0x6e: {  	_ =	shalt  }
0x6f: {  	_ =	shalt  }
0x70: {  	_ =	shalt  }
0x71: {  	_ =	shalt  }
0x72: {  	_ =	shalt  }
0x73: {  	_ =	shalt  }
0x74: {  	_ =	shalt  }
0x75: {  	_ =	shalt  }
0x76: {  	_ =	shalt  }
0x77: {  	_ =	shalt  }
0x78: {  	_ =	shalt  }
0x79: {  	_ =	shalt  }
0x7a: {  	_ =	shalt  }
0x7b: {  	_ =	shalt  }
0x7c: {  	_ =	shalt  }
0x7d: {  	_ =	shalt  }
0x7e: {  	_ =	shalt  }
0x7f: {  	_ =	shalt  }
0x80: {  	_ =	shalt  }
0x81: {  	_ =	shalt  }
0x82: {  	_ =	shalt  }
0x83: {  	_ =	shalt  }
0x84: {  	_ =	shalt  }
0x85: {  	_ =	shalt  }
0x86: {  	_ =	shalt  }
0x87: {  	_ =	shalt  }
.Lfunc_end0:
.L_simem_size_0:
called_computation_lowered:
.L_overlay_start_0:
0x88: {  	s2 =	sld [smem:$0x3FD9]  }
0x89: {  	s3 =	sld [smem:$0x3FFE];
	_ =	sdelay $0x1  }
0x8a: {  	s1 =	srdreg.scid  }
0x8b: {  	s0 =	sand.u32 $0x1, s1  }
0x8c: {  	s17 =	sshll.u32 s0, $0xA;
	s2 =	sadd.s32 s3, s2  }
0x8d: {  	s2 =	sadd.s32 s2, s17  }
0x8e: {  	[smem:$0x3FC4] =	sst s2  }
0x8f: {  	_ = 	snop  }
0x90: {  	s2 =	sld [smem:$0x3FC9]  }
0x91: {  	s18 =	sld [smem:$0x3FC8]  }
0x92: {  	s4 =	sld [smem:$0x3FC7]  }
0x93: {  	s5 =	sld [smem:$0x3FD0];
	(tm) =	ssettm $0x1  }
0x94: {  	s6 =	sld [smem:$0x3FFB];
	_ =	sdelay $0x3  }
0x95: {  	_ =	strace s6  }
0x96: {  	s6 =	sld [smem:$0x3FFC];
	_ =	sdelay $0x3  }
0x97: {  	_ =	strace s6  }
0x98: {  	s6 =	sld [smem:$0x3FFD];
	_ =	sdelay $0x3  }
0x99: {  	_ =	strace s6  }
0x9a: {  	_ =	strace $0x8FFFFFFF  }
0x9b: {  	s19 =	sld [smem:$0x3FDB];
	_ =	sdelay $0x1  }
0x9c: {  	s7 =	simm.s32 $_scs_section_size  }
0x9d: {  	s8 =	simm.s32 $_size__tile_overlayer_lowered;
	s9 =	simm.s32 $_tile_overlayer_lowered  }
0x9e: {  	s22 =	simm.s32 $0x1BFF;
	s21 =	sshll.u32 s9, $0x1;
	s6 =	sadd.s32 s7, s19  }
0x9f: {  	s10 =	simm.s32 $0x0;
	s20 =	sshll.u32 s8, $0x1;
	s8 =	sadd.s32 s21, s6  }
0xa0: {  	[timem:s10], [sflag:s22] =	dma.local [hbm:s8], s20  }
0xa1: {  	_ =	swait.ge [sflag:s22], s20  }
0xa2: {  	s7 =	ssub.s32 $0x0, s20;
	[sflag:s22] =	ssyncset.done $0x0  }
0xa3: {  	[sflag:s22] =	ssyncadd.s32 s7;
	_ =	sdelay $0x1  }
0xa4: {  	s23 =	simm.s32 $0x1B8B  }
0xa5: {  	_ =	swait.ge [sflag:s23], $0x1  }
0xa6: {  	[sflag:s23] =	ssyncset.done $0x0  }
0xa7: {  	s25 =	simm.s32 $0x1B8E;
	s24 =	sld [smem:$0x3FFE];
	[sflag:s23] =	ssyncadd.s32 $0xFFFFFFFF  }
0xa8: {  	s26 =	simm.s32 $execute0_lowered;
	[smem:$0x3FD2] =	sst s25  }
0xa9: {  	s8 =	sshll.u32 s26, $0x1;
	_ =	strace $0x80000046;
	[dreg:$0x1] =	wrdreg $0xFFFFFFFF  }
0xaa: {  	s28 =	simm.s32 $_size_execute0_lowered;
	s6 =	sadd.s32 s6, s8;
	[dreg:$0x0] =	wrdreg $0x0  }
0xab: {  	s8 =	sshll.u32 s28, $0x1;
	[dreg:$0x2] =	wrdreg s6  }
0xac: {  	[dreg:$0x3] =	wrdreg s8  }
0xad: {  	[dreg:$0x4] =	wrdreg $0xC0  }
0xae: {  	_ =	task [dreg:s10], $0x5FFFF  }
0xaf: {  	[dreg:$0x1] =	wrdreg $0xFFFFFFFF  }
0xb0: {  	[dreg:$0x0] =	wrdreg $0x60  }
0xb1: {  	[dreg:$0x2] =	wrdreg s24  }
0xb2: {  	[dreg:$0x3] =	wrdreg s2  }
0xb3: {  	[dreg:$0x4] =	wrdreg s18  }
0xb4: {  	[dreg:$0x5] =	wrdreg s4  }
0xb5: {  	[dreg:$0x6] =	wrdreg s5  }
0xb6: {  	[dreg:$0x7] =	wrdreg $0x1D7000  }
0xb7: {  	[dreg:$0x8] =	wrdreg $0x9  }
0xb8: {  	_ =	task.clear_ibuf [dreg:s10], $0x9FFFF;
	_ =	strace $0x90000046  }
0xb9: {  	s29 =	simm.s32 $0x9;
	_ =	strace $0x80000048  }
0xba: {  	_ =	swait.ge [sflag:s29], $0x1  }
0xbb: {  	[sflag:s29] =	ssyncadd.s32 $0xFFFFFFFF  }
0xbc: {  	_ =	strace $0x90000048  }
0xbd: {  	_ =	sfence  }
0xbe: {  	s30 =	sld [smem:$0x0];
	_ =	sdelay $0x2  }
0xbf: {  	s31 =	sshll.u32 s1, $0xD;
	s1 =	sshrl.u32 s1, $0x2  }
0xc0: {  	s3 =	sand.u32 $0x4000, s31;
	s1 =	sadd.s32 s1, s30  }
0xc1: {  	s0 =	sor.u32 s3, s0;
	s1 =	sshll.u32 s1, $0x11  }
0xc2: {  	s0 =	sor.u32 s1, s0  }
0xc3: {  	s0 =	sadd.s32 $0x8F2B, s0  }
0xc4: {  	[sflag:s0] =	ssyncadd.remote.s32 $0x1  }
0xc5: {  	_ =	sfence.sel $0xFFFF  }
0xc6: {  	[dreg:$0x0] =	wrdreg $0xFFFFFFFF;
	(pc) =	sbr.abs _section_cstart, $3  }
0xc7: {  	[dreg:$0x1] =	wrdreg $0xFFFFFFFF  }
0xc8: {  	_ =	task.clear_ibuf [dreg:s10], $0x2FFFF;
	_ =	strace $0x9FFFFFFF  }
0xc9: {  	(tm) =	ssettm $0x7FFFFFFF  }
tec
execute0_lowered:
.L_overlay_start_1:
0x0: {  	(tag) =	ssettag $0x1  }
0x1: {  	s1 =	rddreg [dreg:$0x0]  }
0x2: {  	s0 =	rddreg [dreg:$0x1]  }
0x3: {  	s2 =	rddreg [dreg:$0x2]  }
0x4: {  	s3 =	rddreg [dreg:$0x3]  }
0x5: {  	s4 =	rddreg [dreg:$0x4]  }
0x6: {  	s13 =	rddreg [dreg:$0x5];
	s7 =	stileid.u32  }
0x7: {  	s5 =	srdreg.scid;
	s29 =	simm.s32 $0x18700;
	s30 =	simm.s32 $0x19700  }
0x8: {  	s6 =	smul.u32 $0x1870, s7;
	s5 =	sand.u32 $0x1, s5;
	s8 =	sshll.u32 s7, $0x1  }
0x9: {  	s31 =	simm.s32 $0x1A700;
	s7 =	simm.s32 $0x0;
	s9 =	sor.u32 s5, s8  }
0xa: {  	[smem:$0x7FF] =	sst s7;
	s8 =	smin.u32 s6, $0x16E30;
	s22 =	smul.u32 $0x620, s9  }
0xb: {  	s5 =	ssub.s32 $0x2, s5;
	_ =	strace $0x80000047;
	s23 =	sshrl.u32 s8, $0x3  }
0xc: {  	s10 =	sshrl.u32 s5, $0x1;
	s1 =	sadd.s32 s23, s1;
	s6 =	smin.u32 s22, $0xBD30  }
0xd: {  	s5 =	ssub.s32 s5, s10;
	s12 =	sshll.u32 s6, $0x4;
	s1 =	sadd.s32 $0x600, s1  }
0xe: {  	s9 =	sshll.u32 s6, $0x7;
	s24 =	sadd.s32 s0, s12;
	[dreg:$0xd] =	wrdreg s1  }
0xf: {  	s6 =	sshll.u32 s6, $0x5;
	s25 =	sadd.s32 s2, s12;
	[dreg:$0x7] =	wrdreg s24  }
0x10: {  	s11 =	sadd.s32 $0x800, s9;
	s26 =	sadd.s32 s3, s12;
	[dreg:$0x8] =	wrdreg s25  }
0x11: {  	[dreg:$0x9] =	wrdreg s26;
	s28 =	sshrl.u32 s11, $0x3;
	s26 =	smax.u32 s5, $0x1  }
0x12: {  	s16 =	sshrl.u32 s9, $0x3;
	s14 =	sadd.s32 s0, s28;
	[dreg:$0x15] =	wrdreg s26  }
0x13: {  	s18 =	sadd.s32 s4, s6;
	s15 =	sadd.s32 s2, s28;
	[dreg:$0xa] =	wrdreg s14  }
0x14: {  	s17 =	sadd.s32 $0x200, s16;
	s10 =	sadd.s32 s3, s28;
	[dreg:$0xb] =	wrdreg s15  }
0x15: {  	s6 =	simm.s32 $0x1AF00;
	s19 =	sadd.s32 s0, s17;
	[dreg:$0xc] =	wrdreg s10  }
0x16: {  	s21 =	sshrl.u32 s11, $0x2;
	s20 =	sadd.s32 s2, s17;
	[dreg:$0xe] =	wrdreg s19  }
0x17: {  	s22 =	sadd.s32 $0x300, s16;
	s1 =	sadd.s32 s4, s21;
	[dreg:$0xf] =	wrdreg s20  }
0x18: {  	s12 =	simm.s32 $0x1;
	s23 =	sadd.s32 s0, s22;
	[dreg:$0x11] =	wrdreg s1  }
0x19: {  	s5 =	simm.s32 $0x18F00;
	s24 =	sadd.s32 s2, s22;
	[dreg:$0x12] =	wrdreg s23  }
0x1a: {  	s16 =	simm.s32 $0x3;
	s25 =	sadd.s32 s3, s22;
	[dreg:$0x13] =	wrdreg s24  }
0x1b: {  	s28 =	sadd.s32 s8, s13;
	s13 =	simm.s32 $0x1B700;
	[dreg:$0x14] =	wrdreg s25  }
0x1c: {  	s10 =	sadd.s32 s3, s17;
	[dreg:$0x16] =	wrdreg s28;
	s1 =	simm.s32 $0x19F00  }
0x1d: {  	s14 =	simm.s32 $0x2;
	s15 =	simm.s32 $0x1C700;
	s17 =	simm.s32 $0x4  }
0x1e: {  	s19 =	simm.s32 $0x0;
	[dreg:$0x10] =	wrdreg s10;
	s10 =	simm.s32 $0x5  }
.LBB2_1:
0x1f: {  	s20 =	rddreg [dreg:$0x7]  }
0x20: {  	[tilespmem:s29], [sflag:$0x1] =	stream.linear.gather [hbm4b:s20+s7], $0x800, $0x38;
	[tilespmem:$0x1EF70] =	vst v63  }
0x21: {  	s25 =	rddreg [dreg:$0x8]  }
0x22: {  	[tilespmem:s30], [sflag:$0x1] =	stream.linear.gather [hbm4b:s25+s7], $0x800, $0x38;
	[tilespmem:$0x1EF70] =	vst v63  }
0x23: {  	s26 =	rddreg [dreg:$0x9]  }
0x24: {  	[tilespmem:s31], [sflag:$0x1] =	stream.linear.gather [hbm4b:s26+s7], $0x800, $0x38;
	[tilespmem:$0x1EF70] =	vst v63  }
0x25: {  	s28 =	rddreg [dreg:$0xa]  }
0x26: {  	[tilespmem:s5], [sflag:$0x2] =	stream.linear.gather [hbm4b:s28+s7], $0x800, $0x38;
	[tilespmem:$0x1EF70] =	vst v63  }
0x27: {  	s21 =	rddreg [dreg:$0xb]  }
0x28: {  	[tilespmem:s1], [sflag:$0x2] =	stream.linear.gather [hbm4b:s21+s7], $0x800, $0x38;
	[tilespmem:$0x1EF70] =	vst v63  }
0x29: {  	s22 =	rddreg [dreg:$0xc]  }
0x2a: {  	[tilespmem:s6], [sflag:$0x2] =	stream.linear.gather [hbm4b:s22+s7], $0x800, $0x38;
	[tilespmem:$0x1EF70] =	vst v63  }
0x2b: {  	s23 =	rddreg [dreg:$0xd]  }
0x2c: {  	[tilespmem:s8], [sflag:$0x5] =	stream.linear.gather [hbm4b:s23+s7], $0x1870, $0x38;
	[tilespmem:$0x1EF70] =	vst v63  }
0x2d: {  	_ =	swait.ge [sflag:s10], $0x1870  }
0x2e: {  	[sflag:s10] =	ssyncset.done $0x0  }
0x2f: {  	s24 =	rddreg [dreg:$0x16];
	[sflag:s10] =	ssyncadd.s32 $0xFFFFE790  }
0x30: {  	[spmem:s24] =	stream.linear.scatter [tilespmem:s8], [sflag:$0x5], $0x1870, $0x38;
	[tilespmem:$0x1EF70] =	vst v63  }
0x31: {  	_ =	swait.ge [sflag:s10], $0x1870  }
0x32: {  	[sflag:s10] =	ssyncset.done $0x0  }
0x33: {  	[sflag:s10] =	ssyncadd.s32 $0xFFFFE790  }
0x34: {  	[bflag:$0x0] =	sbarrier.arrive $0xFFFF  }
0x35: {  	s25 =	rddreg [dreg:$0x5]  }
0x36: {  	[tilespmem:s7], [sflag:$0x5] =	stream.linear.gather [spmem:s25], $0x18700, $0x38;
	[tilespmem:$0x1EF70] =	vst v63  }
0x37: {  	_ =	swait.ge [sflag:s10], $0x18700  }
0x38: {  	[sflag:s10] =	ssyncset.done $0x0  }
0x39: {  	[sflag:s10] =	ssyncadd.s32 $0xFFFE7900  }
0x3a: {  	_ =	swait.ge [sflag:s12], $0x800  }
0x3b: {  	[sflag:s12] =	ssyncset.done $0x0  }
0x3c: {  	[sflag:s12] =	ssyncadd.s32 $0xFFFFF800  }
0x3d: {  	_ =	swait.ge [sflag:s12], $0x800  }
0x3e: {  	[sflag:s12] =	ssyncset.done $0x0  }
0x3f: {  	[sflag:s12] =	ssyncadd.s32 $0xFFFFF800  }
0x40: {  	_ =	swait.ge [sflag:s12], $0x800  }
0x41: {  	[sflag:s12] =	ssyncset.done $0x0  }
0x42: {  	s26 =	simm.s32 $0x18740;
	[sflag:s12] =	ssyncadd.s32 $0xFFFFF800  }
0x43: {  	s21 =	simm.s32 $0x19740;
	v0 =	vld [tilespmem:s26+$0x30]  }
0x44: {  	v1 =	vld [tilespmem:s21+$0x30]  }
0x45: {  	v2 =	vld [tilespmem:s21+$0xFFFFFFC0]  }
0x46: {  	v3 =	vld [tilespmem:s26+$0xFFFFFFD0]  }
0x47: {  	v4 =	vld [tilespmem:s21+$0xFFFFFFD0]  }
0x48: {  	v5 =	vld [tilespmem:s26+$0xFFFFFFE0]  }
0x49: {  	s22 =	simm.s32 $0x1A740;
	v6 =	vld [tilespmem:s21+$0xFFFFFFE0]  }
0x4a: {  	v7 =	vld [tilespmem:s22+$0x30]  }
0x4b: {  	v8 =	vld [tilespmem:s26+$0xFFFFFFF0]  }
0x4c: {  	v9 =	vld [tilespmem:s21+$0xFFFFFFF0]  }
0x4d: {  	v10 =	vld [tilespmem:s26+$0x0]  }
0x4e: {  	v11 =	vld [tilespmem:s21+$0x0]  }
0x4f: {  	v12 =	vld [tilespmem:s26+$0x10]  }
0x50: {  	v13 =	vld [tilespmem:s21+$0x10]  }
0x51: {  	v14 =	vld [tilespmem:s26+$0x20]  }
0x52: {  	v15 =	vld [tilespmem:s21+$0x20]  }
0x53: {  	v16 =	vld [tilespmem:s26+$0xFFFFFFC0]  }
0x54: {  	v17 =	vld [tilespmem:s22+$0xFFFFFFC0]  }
0x55: {  	v19 =	vld [tilespmem:s22+$0xFFFFFFD0]  }
0x56: {  	v20 =	vld [tilespmem:s22+$0xFFFFFFE0]  }
0x57: {  	v21 =	vld [tilespmem:s22+$0x20];
	s21 =	simm.s32 $0x1A7C0  }
0x58: {  	v30 =	vld [tilespmem:s21+$0xFFFFFFD0]  }
0x59: {  	v31 =	vld [tilespmem:s21+$0xFFFFFFE0];
	v18 =	vmul.f32 $3.899999860e-01, v7;
	v7 =	vmul.f32 v7, v7  }
0x5a: {  	v33 =	vld [tilespmem:s21+$0x0]  }
0x5b: {  	v7 =	vmul.f32 v7, v18;
	v18 =	vld [tilespmem:s22+$0x0]  }
0x5c: {  	v0 =	vld.idx.msk [tilespmem:v0+s7+$0x0], $0xffff  }
0x5d: {  	v1 =	vld.idx.msk [tilespmem:v1+s7+$0x0], $0xffff  }
0x5e: {  	v16 =	vld.idx.msk [tilespmem:v16+s7+$0x0], $0xffff  }
0x5f: {  	v2 =	vld.idx.msk [tilespmem:v2+s7+$0x0], $0xffff  }
0x60: {  	v3 =	vld.idx.msk [tilespmem:v3+s7+$0x0], $0xffff  }
0x61: {  	v4 =	vld.idx.msk [tilespmem:v4+s7+$0x0], $0xffff  }
0x62: {  	v35 =	vmul.f32 $3.899999860e-01, v17;
	v5 =	vld.idx.msk [tilespmem:v5+s7+$0x0], $0xffff  }
0x63: {  	v17 =	vmul.f32 v17, v17;
	v23 =	vmul.f32 $3.899999860e-01, v19;
	v6 =	vld.idx.msk [tilespmem:v6+s7+$0x0], $0xffff  }
0x64: {  	v19 =	vmul.f32 v19, v19;
	v24 =	vmul.f32 $3.899999860e-01, v20;
	v8 =	vld.idx.msk [tilespmem:v8+s7+$0x0], $0xffff  }
0x65: {  	v20 =	vmul.f32 v20, v20;
	v28 =	vmul.f32 $3.899999860e-01, v21;
	v9 =	vld.idx.msk [tilespmem:v9+s7+$0x0], $0xffff  }
0x66: {  	v21 =	vmul.f32 v21, v21;
	v58 =	vmul.f32 $3.899999860e-01, v30;
	v10 =	vld.idx.msk [tilespmem:v10+s7+$0x0], $0xffff  }
0x67: {  	v30 =	vmul.f32 v30, v30;
	v59 =	vmul.f32 $3.899999860e-01, v31;
	v11 =	vld.idx.msk [tilespmem:v11+s7+$0x0], $0xffff  }
0x68: {  	v31 =	vmul.f32 v31, v31;
	v60 =	vmul.f32 $3.899999860e-01, v33;
	v12 =	vld.idx.msk [tilespmem:v12+s7+$0x0], $0xffff  }
0x69: {  	v33 =	vmul.f32 v33, v33;
	v17 =	vmul.f32 v17, v35;
	v13 =	vld.idx.msk [tilespmem:v13+s7+$0x0], $0xffff  }
0x6a: {  	v19 =	vmul.f32 v19, v23;
	v14 =	vld.idx.msk [tilespmem:v14+s7+$0x0], $0xffff;
	v0 =	vmul.f32 v1, v0  }
0x6b: {  	v20 =	vmul.f32 v20, v24;
	v15 =	vld.idx.msk [tilespmem:v15+s7+$0x0], $0xffff;
	v26 =	vmul.f32 $3.899999860e-01, v18  }
0x6c: {  	v18 =	vmul.f32 v18, v18;
	v0 =	vmul.f32 v7, v0  }
0x6d: {  	v2 =	vmul.f32 v2, v16;
	v3 =	vmul.f32 v4, v3  }
0x6e: {  	v5 =	vmul.f32 v6, v5;
	v8 =	vmul.f32 v9, v8;
	v22 =	vsub.f32 $0.0e+00, v0  }
0x6f: {  	s28 =	simm.s32 $0x187C0;
	v1 =	vld [tilespmem:s22+$0xFFFFFFF0];
	v10 =	vmul.f32 v11, v10;
	v12 =	vmul.f32 v13, v12  }
0x70: {  	v16 =	vld [tilespmem:s28+$0x30];
	v14 =	vmul.f32 v15, v14;
	v22 =	vmul.f32 $1.442695020e+00, v22  }
0x71: {  	s20 =	simm.s32 $0x197C0;
	v18 =	vmul.f32 v18, v26;
	v7 =	vld [tilespmem:s22+$0x10];
	v2 =	vmul.f32 v17, v2  }
0x72: {  	v37 =	vld [tilespmem:s20+$0x30];
	v17 =	vmul.f32 v21, v28;
	(erf) = vpow2.f32 v22  }
0x73: {  	v44 =	vld [tilespmem:s20+$0xFFFFFFF0];
	v3 =	vmul.f32 v19, v3;
	v5 =	vmul.f32 v20, v5  }
0x74: {  	v45 =	vld [tilespmem:s20+$0x0];
	v21 =	vmul.f32 v31, v59;
	v10 =	vmul.f32 v18, v10  }
0x75: {  	v48 =	vld [tilespmem:s28+$0x10];
	v25 =	vmul.f32 $3.899999860e-01, v1;
	v1 =	vmul.f32 v1, v1  }
0x76: {  	v13 =	vld [tilespmem:s21+$0x30];
	v27 =	vmul.f32 $3.899999860e-01, v7;
	v7 =	vmul.f32 v7, v7  }
0x77: {  	v49 =	vld [tilespmem:s28+$0xFFFFFFC0];
	v19 =	vsub.f32 $0.0e+00, v2;
	v38 =	vsub.f32 $0.0e+00, v3;
	v14 =	vmul.f32 v17, v14  }
0x78: {  	v32 =	vld [tilespmem:s21+$0xFFFFFFF0];
	v0 =	vadd.f32 $1.000000000e+00, v0;
	v1 =	vmul.f32 v1, v25;
	v7 =	vmul.f32 v7, v27  }
0x79: {  	v39 =	vsub.f32 $0.0e+00, v5;
	v19 =	vmul.f32 $1.442695020e+00, v19;
	v18 =	vmul.f32 $1.442695020e+00, v38;
	v16 =	vld.idx.msk [tilespmem:v16+s7+$0x0], $0xffff  }
0x7a: {  	v2 =	vadd.f32 $1.000000000e+00, v2;
	v1 =	vmul.f32 v1, v8;
	v7 =	vmul.f32 v7, v12;
	v12 =	vld.idx.msk [tilespmem:v37+s7+$0x0], $0xffff  }
0x7b: {  	v11 =	vld [tilespmem:s28+$0xFFFFFFE0];
	v41 =	vsub.f32 $0.0e+00, v10;
	v47 =	vmul.f32 $3.899999860e-01, v13;
	v36 =	vpop (erf);
	(erf) = vpow2.f32 v19  }
0x7c: {  	v4 =	vld [tilespmem:s20+$0xFFFFFFC0];
	v40 =	vmul.f32 $1.442695020e+00, v39;
	v19 =	vsub.f32 $0.0e+00, v1;
	(erf) = vpow2.f32 v18  }
0x7d: {  	v3 =	vadd.f32 $1.000000000e+00, v3;
	v13 =	vmul.f32 v13, v13;
	v42 =	vmul.f32 $1.442695020e+00, v41;
	v8 =	vld [tilespmem:s20+$0xFFFFFFE0]  }
0x7e: {  	v57 =	vld [tilespmem:s21+$0x20];
	v43 =	vsub.f32 $0.0e+00, v7;
	v18 =	vmul.f32 $1.442695020e+00, v19;
	(erf) = vpow2.f32 v40  }
0x7f: {  	v6 =	vld [tilespmem:s28+$0xFFFFFFD0];
	v5 =	vadd.f32 $1.000000000e+00, v5;
	v13 =	vmul.f32 v13, v47;
	v12 =	vmul.f32 v12, v16  }
0x80: {  	v9 =	vld [tilespmem:s20+$0xFFFFFFD0];
	v10 =	vadd.f32 $1.000000000e+00, v10;
	(erf) = vpow2.f32 v18;
	v18 =	vmul.f32 $1.442695020e+00, v43  }
0x81: {  	v22 =	vld.idx.msk [tilespmem:v49+s7+$0x0], $0xffff;
	v7 =	vadd.f32 $1.000000000e+00, v7;
	v12 =	vmul.f32 v13, v12;
	(erf) = vpow2.f32 v42  }
0x82: {  	v0 =	vmul.f32 v36, v0;
	v13 =	vld [tilespmem:s21+$0xFFFFFFC0];
	(erf) = vpow2.f32 v18;
	v18 =	vsub.f32 $0.0e+00, v14  }
0x83: {  	v61 =	vld.idx.msk [tilespmem:v11+s7+$0x0], $0xffff;
	v11 =	vmul.f32 $3.899999860e-01, v57;
	v46 =	vsub.f32 $1.000000000e+00, v36;
	v29 =	vsub.f32 $0.0e+00, v12  }
0x84: {  	s22 =	simm.s32 $0x1B780;
	v4 =	vld.idx.msk [tilespmem:v4+s7+$0x0], $0xffff;
	v1 =	vadd.f32 $1.000000000e+00, v1;
	v0 =	vsub.f32 $1.000000000e+00, v0;
	v18 =	vmul.f32 $1.442695020e+00, v18;
	v50 =	vpop (erf)  }
0x85: {  	v8 =	vld.idx.msk [tilespmem:v8+s7+$0x0], $0xffff;
	[tilespmem:s22+$0xFFFFFFF0] =	vst v46;
	v29 =	vmul.f32 $1.442695020e+00, v29;
	v51 =	vpop (erf);
	v2 =	vmul.f32 v50, v2;
	v25 =	vsub.f32 $1.000000000e+00, v50  }
0x86: {  	v56 =	vld [tilespmem:s21+$0x10];
	[tilespmem:s22+$0x70] =	vst v0;
	(erf) = vpow2.f32 v18;
	v3 =	vmul.f32 v51, v3;
	v54 =	vsub.f32 $1.000000000e+00, v51  }
0x87: {  	v19 =	vld [tilespmem:s28+$0xFFFFFFF0];
	v34 =	vmul.f32 $3.899999860e-01, v13;
	v53 =	vpop (erf);
	(erf) = vpow2.f32 v29;
	v0 =	vsub.f32 $1.000000000e+00, v2;
	[tilespmem:s22+$0xFFFFFF80] =	vst v25  }
0x88: {  	v15 =	vld [tilespmem:s28+$0x0];
	v13 =	vmul.f32 v13, v13;
	v5 =	vmul.f32 v53, v5;
	v3 =	vsub.f32 $1.000000000e+00, v3;
	[tilespmem:s22+$0xFFFFFF90] =	vst v54  }
0x89: {  	v17 =	vld [tilespmem:s20+$0x10];
	v22 =	vmul.f32 v4, v22;
	v12 =	vadd.f32 $1.000000000e+00, v12;
	v18 =	vpop (erf);
	[tilespmem:s22+$0x0] =	vst v0;
	v0 =	vsub.f32 $1.000000000e+00, v53  }
0x8a: {  	v6 =	vld.idx.msk [tilespmem:v6+s7+$0x0], $0xffff;
	v63 =	vmul.f32 v8, v61;
	v13 =	vmul.f32 v13, v34;
	v2 =	vpop (erf);
	v5 =	vsub.f32 $1.000000000e+00, v5;
	[tilespmem:s22+$0x10] =	vst v3  }
0x8b: {  	v9 =	vld.idx.msk [tilespmem:v9+s7+$0x0], $0xffff;
	v1 =	vmul.f32 v18, v1;
	v10 =	vmul.f32 v2, v10;
	v3 =	vsub.f32 $1.000000000e+00, v18;
	[tilespmem:s22+$0xFFFFFFA0] =	vst v0  }
0x8c: {  	v16 =	vld [tilespmem:s28+$0x20];
	v55 =	vpop (erf);
	v18 =	vmul.f32 $3.899999860e-01, v32;
	v32 =	vmul.f32 v32, v32;
	v2 =	vsub.f32 $1.000000000e+00, v2;
	[tilespmem:s22+$0x20] =	vst v5  }
0x8d: {  	v52 =	vld [tilespmem:s20+$0x20];
	v7 =	vmul.f32 v55, v7;
	v0 =	vsub.f32 $1.000000000e+00, v1;
	v5 =	vmul.f32 $3.899999860e-01, v56;
	[tilespmem:s22+$0xFFFFFFB0] =	vst v3  }
0x8e: {  	v23 =	vld.idx.msk [tilespmem:v44+s7+$0x0], $0xffff;
	v26 =	vsub.f32 $1.000000000e+00, v55;
	v3 =	vsub.f32 $1.000000000e+00, v10;
	v10 =	vmul.f32 v56, v56;
	[tilespmem:s22+$0xFFFFFFC0] =	vst v2  }
0x8f: {  	v14 =	vadd.f32 $1.000000000e+00, v14;
	v19 =	vld.idx.msk [tilespmem:v19+s7+$0x0], $0xffff;
	v25 =	vmul.f32 v57, v57;
	v1 =	vmul.f32 v30, v58;
	[tilespmem:s22+$0x30] =	vst v0;
	v62 =	vpop (erf)  }
0x90: {  	v2 =	vld.idx.msk [tilespmem:v15+s7+$0x0], $0xffff;
	v7 =	vsub.f32 $1.000000000e+00, v7;
	v0 =	vmul.f32 v32, v18;
	[tilespmem:s22+$0xFFFFFFD0] =	vst v26;
	v4 =	vmul.f32 v10, v5;
	v18 =	vpop (erf)  }
0x91: {  	[tilespmem:s22+$0x40] =	vst v3;
	v5 =	vmul.f32 v9, v6;
	v9 =	vld.idx.msk [tilespmem:v45+s7+$0x0], $0xffff;
	v15 =	vsub.f32 $1.000000000e+00, v62;
	v12 =	vmul.f32 v18, v12  }
0x92: {  	v13 =	vmul.f32 v13, v22;
	v3 =	vmul.f32 v33, v60;
	v10 =	vld.idx.msk [tilespmem:v17+s7+$0x0], $0xffff;
	[tilespmem:s22+$0x50] =	vst v7;
	v18 =	vsub.f32 $1.000000000e+00, v18  }
0x93: {  	s23 =	simm.s32 $0x1B880;
	v6 =	vmul.f32 v25, v11;
	v7 =	vld.idx.msk [tilespmem:v48+s7+$0x0], $0xffff;
	v11 =	vmul.f32 v1, v5;
	[tilespmem:s22+$0xFFFFFFE0] =	vst v15;
	v12 =	vsub.f32 $1.000000000e+00, v12  }
0x94: {  	v8 =	vmul.f32 v62, v14;
	v5 =	vadd.f32 $1.000000000e+00, v13;
	v1 =	vld.idx.msk [tilespmem:v16+s7+$0x0], $0xffff;
	v15 =	vsub.f32 $0.0e+00, v13;
	[tilespmem:s23+$0xFFFFFFF0] =	vst v18  }
0x95: {  	s24 =	simm.s32 $0x80;
	s25 =	simm.s32 $0x18840;
	v16 =	vmul.f32 v23, v19;
	v13 =	vld.idx.msk [tilespmem:v52+s7+$0x0], $0xffff;
	v14 =	vsub.f32 $0.0e+00, v11;
	[tilespmem:s23+$0x70] =	vst v12;
	v12 =	vmul.f32 v21, v63  }
.LBB2_2:
0x96: {  	v17 =	vld [tilespmem:s25+$0x30];
	v15 =	vmul.f32 $1.442695020e+00, v15;
	v11 =	vadd.f32 $1.000000000e+00, v11;
	s20 =	sadd.s32 $0x80, s20;
	v8 =	vsub.f32 $1.000000000e+00, v8  }
0x97: {  	s24 =	sadd.s32 $0x80, s24;
	v9 =	vmul.f32 v9, v2;
	v18 =	vld [tilespmem:s20+$0x30];
	v19 =	vsub.f32 $0.0e+00, v12;
	v16 =	vmul.f32 v0, v16  }
0x98: {  	p0 =	slt.u32 s24, $0x780;
	v14 =	vmul.f32 $1.442695020e+00, v14;
	v12 =	vadd.f32 $1.000000000e+00, v12;
	v0 =	vld [tilespmem:s20+$0xFFFFFFC0];
	(erf) = vpow2.f32 v15;
	[tilespmem:s22+$0x60] =	vst v8;
	s22 =	smov.u32 s23  }
0x99: {  	v9 =	vmul.f32 v3, v9;
	v7 =	vmul.f32 v10, v7;
	v2 =	vld [tilespmem:s25+$0xFFFFFFD0];
	v8 =	vsub.f32 $0.0e+00, v16  }
0x9a: {  	v10 =	vmul.f32 $1.442695020e+00, v19;
	v15 =	vadd.f32 $1.000000000e+00, v16;
	v3 =	vld [tilespmem:s20+$0xFFFFFFD0];
	(erf) = vpow2.f32 v14  }
0x9b: {  	v16 =	vsub.f32 $0.0e+00, v9;
	v7 =	vmul.f32 v4, v7;
	v1 =	vmul.f32 v13, v1;
	v14 =	vld [tilespmem:s25+$0xFFFFFFE0]  }
0x9c: {  	s21 =	sadd.s32 $0x80, s21;
	v9 =	vadd.f32 $1.000000000e+00, v9;
	v8 =	vmul.f32 $1.442695020e+00, v8;
	v4 =	vld [tilespmem:s20+$0xFFFFFFE0];
	(erf) = vpow2.f32 v10  }
0x9d: {  	v13 =	vmul.f32 $1.442695020e+00, v16;
	v16 =	vsub.f32 $0.0e+00, v7;
	v1 =	vmul.f32 v6, v1;
	v10 =	vld [tilespmem:s21+$0x30]  }
0x9e: {  	v7 =	vadd.f32 $1.000000000e+00, v7;
	v6 =	vld.idx.msk [tilespmem:v17+s7+$0x0], $0xffff;
	(erf) = vpow2.f32 v8  }
0x9f: {  	v16 =	vmul.f32 $1.442695020e+00, v16;
	v17 =	vsub.f32 $0.0e+00, v1;
	v8 =	vld.idx.msk [tilespmem:v18+s7+$0x0], $0xffff;
	(erf) = vpow2.f32 v13  }
0xa0: {  	v1 =	vadd.f32 $1.000000000e+00, v1;
	v13 =	vld [tilespmem:s25+$0xFFFFFFF0]  }
0xa1: {  	v17 =	vmul.f32 $1.442695020e+00, v17;
	v18 =	vld [tilespmem:s20+$0xFFFFFFF0];
	v19 =	vpop (erf);
	(erf) = vpow2.f32 v16  }
0xa2: {  	v16 =	vld [tilespmem:s25+$0x0];
	v24 =	vsub.f32 $1.000000000e+00, v19;
	v5 =	vmul.f32 v19, v5  }
0xa3: {  	v21 =	vmul.f32 $3.899999860e-01, v10;
	v10 =	vmul.f32 v10, v10;
	v19 =	vld [tilespmem:s20+$0x0];
	v22 =	vpop (erf)  }
0xa4: {  	v23 =	vld [tilespmem:s25+$0x10];
	[tilespmem:s23+$0xFFFFFF80] =	vst v24;
	v5 =	vsub.f32 $1.000000000e+00, v5;
	v11 =	vmul.f32 v22, v11;
	(erf) = vpow2.f32 v17  }
0xa5: {  	v10 =	vmul.f32 v10, v21;
	v6 =	vmul.f32 v8, v6;
	v22 =	vsub.f32 $1.000000000e+00, v22;
	v17 =	vld [tilespmem:s20+$0x10];
	v20 =	vpop (erf)  }
0xa6: {  	v21 =	vld [tilespmem:s25+$0x20];
	[tilespmem:s23+$0x0] =	vst v5;
	v5 =	vsub.f32 $1.000000000e+00, v11;
	v11 =	vsub.f32 $1.000000000e+00, v20;
	v12 =	vmul.f32 v20, v12  }
0xa7: {  	v6 =	vmul.f32 v10, v6;
	v20 =	vld [tilespmem:s20+$0x20];
	[tilespmem:s23+$0xFFFFFF90] =	vst v22;
	v8 =	vpop (erf)  }
0xa8: {  	v10 =	vld [tilespmem:s25+$0xFFFFFFC0];
	[tilespmem:s23+$0x10] =	vst v5;
	v5 =	vsub.f32 $1.000000000e+00, v12;
	v12 =	vsub.f32 $1.000000000e+00, v8;
	v25 =	vmul.f32 v8, v15;
	v15 =	vpop (erf)  }
0xa9: {  	v24 =	vsub.f32 $0.0e+00, v6;
	v22 =	vld [tilespmem:s21+$0xFFFFFFC0];
	[tilespmem:s23+$0xFFFFFFA0] =	vst v11;
	v11 =	vsub.f32 $1.000000000e+00, v15;
	v9 =	vmul.f32 v15, v9  }
0xaa: {  	v15 =	vld [tilespmem:s21+$0xFFFFFFD0];
	[tilespmem:s23+$0x20] =	vst v5;
	v5 =	vsub.f32 $1.000000000e+00, v25;
	v8 =	vpop (erf)  }
0xab: {  	v26 =	vmul.f32 $1.442695020e+00, v24;
	v25 =	vld [tilespmem:s21+$0xFFFFFFE0];
	[tilespmem:s23+$0xFFFFFFB0] =	vst v12;
	v9 =	vsub.f32 $1.000000000e+00, v9;
	v7 =	vmul.f32 v8, v7  }
0xac: {  	v12 =	vld [tilespmem:s21+$0xFFFFFFF0];
	[tilespmem:s23+$0x30] =	vst v5;
	v5 =	vsub.f32 $1.000000000e+00, v8  }
0xad: {  	v8 =	vld [tilespmem:s21+$0x0];
	(erf) = vpow2.f32 v26;
	[tilespmem:s23+$0x40] =	vst v9;
	v7 =	vsub.f32 $1.000000000e+00, v7;
	v24 =	vpop (erf)  }
0xae: {  	v9 =	vmul.f32 $3.899999860e-01, v22;
	v22 =	vmul.f32 v22, v22;
	v26 =	vld [tilespmem:s21+$0x10];
	[tilespmem:s23+$0xFFFFFFC0] =	vst v11;
	v11 =	vsub.f32 $1.000000000e+00, v24  }
0xaf: {  	v27 =	vmul.f32 $3.899999860e-01, v15;
	v15 =	vmul.f32 v15, v15;
	v28 =	vld [tilespmem:s21+$0x20];
	[tilespmem:s23+$0x50] =	vst v7  }
0xb0: {  	v7 =	vld.idx.msk [tilespmem:v10+s7+$0x0], $0xffff;
	v10 =	vmul.f32 $3.899999860e-01, v25;
	v25 =	vmul.f32 v25, v25;
	[tilespmem:s23+$0xFFFFFFD0] =	vst v5  }
0xb1: {  	v5 =	vld.idx.msk [tilespmem:v0+s7+$0x0], $0xffff;
	v0 =	vmul.f32 $3.899999860e-01, v12;
	v12 =	vmul.f32 v12, v12;
	[tilespmem:s23+$0xFFFFFFE0] =	vst v11  }
0xb2: {  	v11 =	vld.idx.msk [tilespmem:v2+s7+$0x0], $0xffff;
	v29 =	vmul.f32 $3.899999860e-01, v8;
	v8 =	vmul.f32 v8, v8  }
0xb3: {  	v30 =	vld.idx.msk [tilespmem:v3+s7+$0x0], $0xffff;
	v31 =	vmul.f32 $3.899999860e-01, v26;
	v26 =	vmul.f32 v26, v26  }
0xb4: {  	v14 =	vld.idx.msk [tilespmem:v14+s7+$0x0], $0xffff;
	v32 =	vmul.f32 $3.899999860e-01, v28;
	v28 =	vmul.f32 v28, v28  }
0xb5: {  	v22 =	vmul.f32 v22, v9;
	v15 =	vmul.f32 v15, v27;
	v2 =	vadd.f32 $1.000000000e+00, v6;
	v27 =	vld.idx.msk [tilespmem:v4+s7+$0x0], $0xffff  }
0xb6: {  	v25 =	vmul.f32 v25, v10;
	v0 =	vmul.f32 v12, v0;
	v13 =	vld.idx.msk [tilespmem:v13+s7+$0x0], $0xffff;
	v3 =	vpop (erf)  }
0xb7: {  	v5 =	vmul.f32 v5, v7;
	v18 =	vld.idx.msk [tilespmem:v18+s7+$0x0], $0xffff;
	v12 =	vsub.f32 $1.000000000e+00, v3;
	v7 =	vmul.f32 v3, v2  }
0xb8: {  	v4 =	vmul.f32 v26, v31;
	v3 =	vmul.f32 v8, v29;
	v2 =	vld.idx.msk [tilespmem:v16+s7+$0x0], $0xffff  }
.Ltmp0:
0xb9: {  	v6 =	vmul.f32 v28, v32;
	v10 =	vmul.f32 v30, v11;
	v9 =	vld.idx.msk [tilespmem:v19+s7+$0x0], $0xffff;
	v16 =	vsub.f32 $1.000000000e+00, v7;
	(pc) =	sbr.rel @p0 .LBB2_2-.Ltmp0, $4  }
0xba: {  	s23 =	sadd.s32 $0x100, s23;
	v8 =	vmul.f32 v24, v1;
	v5 =	vmul.f32 v22, v5;
	v7 =	vld.idx.msk [tilespmem:v23+s7+$0x0], $0xffff  }
0xbb: {  	v11 =	vmul.f32 v15, v10;
	v19 =	vmul.f32 v27, v14;
	v10 =	vld.idx.msk [tilespmem:v17+s7+$0x0], $0xffff;
	[tilespmem:s23+$0x70] =	vst v16  }
0xbc: {  	v15 =	vsub.f32 $0.0e+00, v5;
	v5 =	vadd.f32 $1.000000000e+00, v5;
	v1 =	vld.idx.msk [tilespmem:v21+s7+$0x0], $0xffff;
	[tilespmem:s23+$0xFFFFFFF0] =	vst v12  }
0xbd: {  	s25 =	sadd.s32 $0x80, s25;
	v14 =	vsub.f32 $0.0e+00, v11;
	v12 =	vmul.f32 v25, v19;
	v16 =	vmul.f32 v18, v13;
	v13 =	vld.idx.msk [tilespmem:v20+s7+$0x0], $0xffff  }
0xbe: {  	v15 =	vmul.f32 $1.442695020e+00, v15  }
0xbf: {  	v2 =	vmul.f32 v9, v2;
	v0 =	vmul.f32 v0, v16  }
0xc0: {  	v9 =	vsub.f32 $0.0e+00, v12;
	v14 =	vmul.f32 $1.442695020e+00, v14;
	(erf) = vpow2.f32 v15  }
0xc1: {  	v2 =	vmul.f32 v3, v2;
	v3 =	vmul.f32 v10, v7  }
0xc2: {  	v9 =	vmul.f32 $1.442695020e+00, v9;
	(erf) = vpow2.f32 v14  }
0xc3: {  	v3 =	vmul.f32 v4, v3  }
0xc4: {  	v7 =	vsub.f32 $0.0e+00, v0;
	(erf) = vpow2.f32 v9  }
0xc5: {  	v10 =	vsub.f32 $0.0e+00, v2;
	v1 =	vmul.f32 v13, v1;
	v9 =	vsub.f32 $0.0e+00, v3  }
0xc6: {  	v4 =	vmul.f32 $1.442695020e+00, v7  }
0xc7: {  	v7 =	vmul.f32 $1.442695020e+00, v10;
	v1 =	vmul.f32 v6, v1  }
0xc8: {  	(erf) = vpow2.f32 v4;
	v4 =	vmul.f32 $1.442695020e+00, v9  }
0xc9: {  	(erf) = vpow2.f32 v7;
	v6 =	vsub.f32 $0.0e+00, v1;
	v7 =	vadd.f32 $1.000000000e+00, v11;
	v9 =	vpop (erf)  }
0xca: {  	(erf) = vpow2.f32 v4;
	v4 =	vsub.f32 $1.000000000e+00, v8;
	v5 =	vmul.f32 v9, v5  }
0xcb: {  	v6 =	vmul.f32 $1.442695020e+00, v6;
	v10 =	vpop (erf)  }
0xcc: {  	v8 =	vadd.f32 $1.000000000e+00, v12;
	[tilespmem:s22+$0x60] =	vst v4;
	v4 =	vsub.f32 $1.000000000e+00, v5;
	v5 =	vmul.f32 v10, v7  }
0xcd: {  	(erf) = vpow2.f32 v6;
	v6 =	vsub.f32 $1.000000000e+00, v10;
	v7 =	vpop (erf)  }
0xce: {  	[tilespmem:s23+$0x0] =	vst v4;
	v4 =	vsub.f32 $1.000000000e+00, v5;
	v5 =	vmul.f32 v7, v8;
	_ =	sdelay $0x2  }
0xcf: {  	v0 =	vadd.f32 $1.000000000e+00, v0;
	v2 =	vadd.f32 $1.000000000e+00, v2;
	[tilespmem:s23+$0xFFFFFF90] =	vst v6;
	v6 =	vpop (erf)  }
0xd0: {  	v9 =	vsub.f32 $1.000000000e+00, v9;
	[tilespmem:s23+$0x10] =	vst v4;
	v4 =	vsub.f32 $1.000000000e+00, v5;
	v5 =	vpop (erf)  }
0xd1: {  	v7 =	vsub.f32 $1.000000000e+00, v7;
	v2 =	vmul.f32 v5, v2  }
0xd2: {  	v3 =	vadd.f32 $1.000000000e+00, v3;
	[tilespmem:s23+$0xFFFFFF80] =	vst v9;
	v0 =	vmul.f32 v6, v0  }
0xd3: {  	v6 =	vsub.f32 $1.000000000e+00, v6;
	[tilespmem:s23+$0xFFFFFFA0] =	vst v7;
	v2 =	vsub.f32 $1.000000000e+00, v2  }
0xd4: {  	[tilespmem:s23+$0x20] =	vst v4;
	v0 =	vsub.f32 $1.000000000e+00, v0;
	v4 =	vpop (erf)  }
0xd5: {  	[tilespmem:s23+$0xFFFFFFB0] =	vst v6;
	v3 =	vmul.f32 v4, v3  }
0xd6: {  	v1 =	vadd.f32 $1.000000000e+00, v1;
	v5 =	vsub.f32 $1.000000000e+00, v5;
	[tilespmem:s23+$0x30] =	vst v0  }
0xd7: {  	[tilespmem:s23+$0x40] =	vst v2;
	v0 =	vsub.f32 $1.000000000e+00, v3;
	v2 =	vpop (erf)  }
0xd8: {  	[tilespmem:s23+$0xFFFFFFC0] =	vst v5;
	v3 =	vsub.f32 $1.000000000e+00, v4;
	v1 =	vmul.f32 v2, v1  }
0xd9: {  	[tilespmem:s23+$0x50] =	vst v0;
	v2 =	vsub.f32 $1.000000000e+00, v2  }
0xda: {  	[tilespmem:s23+$0xFFFFFFD0] =	vst v3;
	v0 =	vsub.f32 $1.000000000e+00, v1  }
0xdb: {  	[tilespmem:s23+$0xFFFFFFE0] =	vst v2  }
0xdc: {  	[tilespmem:s23+$0x60] =	vst v0  }
0xdd: {  	[hbm4b:s18+s7] =	stream.linear.scatter [tilespmem:s13], [sflag:$0x3], $0x1000, $0x38;
	[tilespmem:$0x1EF70] =	vst v63  }
0xde: {  	s20 =	rddreg [dreg:$0xe]  }
0xdf: {  	[tilespmem:s29], [sflag:$0x1] =	stream.linear.gather [hbm4b:s20+s7], $0x800, $0x38;
	[tilespmem:$0x1EF70] =	vst v63  }
0xe0: {  	s23 =	rddreg [dreg:$0xf]  }
0xe1: {  	[tilespmem:s30], [sflag:$0x1] =	stream.linear.gather [hbm4b:s23+s7], $0x800, $0x38;
	[tilespmem:$0x1EF70] =	vst v63  }
0xe2: {  	s24 =	rddreg [dreg:$0x10]  }
0xe3: {  	[tilespmem:s31], [sflag:$0x1] =	stream.linear.gather [hbm4b:s24+s7], $0x800, $0x38;
	[tilespmem:$0x1EF70] =	vst v63  }
0xe4: {  	_ =	swait.ge [sflag:s14], $0x800  }
0xe5: {  	[sflag:s14] =	ssyncset.done $0x0  }
0xe6: {  	[sflag:s14] =	ssyncadd.s32 $0xFFFFF800  }
0xe7: {  	_ =	swait.ge [sflag:s14], $0x800  }
0xe8: {  	[sflag:s14] =	ssyncset.done $0x0  }
0xe9: {  	[sflag:s14] =	ssyncadd.s32 $0xFFFFF800  }
0xea: {  	_ =	swait.ge [sflag:s14], $0x800  }
0xeb: {  	[sflag:s14] =	ssyncset.done $0x0  }
0xec: {  	s25 =	simm.s32 $0x18F40;
	[sflag:s14] =	ssyncadd.s32 $0xFFFFF800  }
0xed: {  	s21 =	simm.s32 $0x19F40;
	v0 =	vld [tilespmem:s25+$0x30]  }
0xee: {  	v1 =	vld [tilespmem:s21+$0x30]  }
0xef: {  	v2 =	vld [tilespmem:s21+$0xFFFFFFC0]  }
0xf0: {  	v3 =	vld [tilespmem:s25+$0xFFFFFFD0]  }
0xf1: {  	v4 =	vld [tilespmem:s21+$0xFFFFFFD0]  }
0xf2: {  	v5 =	vld [tilespmem:s25+$0xFFFFFFE0]  }
0xf3: {  	s26 =	simm.s32 $0x1AF40;
	v6 =	vld [tilespmem:s21+$0xFFFFFFE0]  }
0xf4: {  	v7 =	vld [tilespmem:s26+$0x30]  }
0xf5: {  	v8 =	vld [tilespmem:s25+$0xFFFFFFF0]  }
0xf6: {  	v9 =	vld [tilespmem:s21+$0xFFFFFFF0]  }
0xf7: {  	v10 =	vld [tilespmem:s25+$0x0]  }
0xf8: {  	v11 =	vld [tilespmem:s21+$0x0]  }
0xf9: {  	v12 =	vld [tilespmem:s25+$0x10]  }
0xfa: {  	v13 =	vld [tilespmem:s21+$0x10]  }
0xfb: {  	v14 =	vld [tilespmem:s25+$0x20]  }
0xfc: {  	v15 =	vld [tilespmem:s21+$0x20]  }
0xfd: {  	v16 =	vld [tilespmem:s25+$0xFFFFFFC0]  }
0xfe: {  	v17 =	vld [tilespmem:s26+$0xFFFFFFC0]  }
0xff: {  	v19 =	vld [tilespmem:s26+$0xFFFFFFD0]  }
0x100: {  	v20 =	vld [tilespmem:s26+$0xFFFFFFE0]  }
0x101: {  	v21 =	vld [tilespmem:s26+$0x20];
	s21 =	simm.s32 $0x1AFC0  }
0x102: {  	v30 =	vld [tilespmem:s21+$0xFFFFFFD0]  }
0x103: {  	v31 =	vld [tilespmem:s21+$0xFFFFFFE0];
	v18 =	vmul.f32 $3.899999860e-01, v7;
	v7 =	vmul.f32 v7, v7  }
0x104: {  	v33 =	vld [tilespmem:s21+$0x0]  }
0x105: {  	v7 =	vmul.f32 v7, v18;
	v18 =	vld [tilespmem:s26+$0x0]  }
0x106: {  	v0 =	vld.idx.msk [tilespmem:v0+s7+$0x0], $0xffff  }
0x107: {  	v1 =	vld.idx.msk [tilespmem:v1+s7+$0x0], $0xffff  }
0x108: {  	v16 =	vld.idx.msk [tilespmem:v16+s7+$0x0], $0xffff  }
0x109: {  	v2 =	vld.idx.msk [tilespmem:v2+s7+$0x0], $0xffff  }
0x10a: {  	v3 =	vld.idx.msk [tilespmem:v3+s7+$0x0], $0xffff  }
0x10b: {  	v4 =	vld.idx.msk [tilespmem:v4+s7+$0x0], $0xffff  }
0x10c: {  	v5 =	vld.idx.msk [tilespmem:v5+s7+$0x0], $0xffff  }
0x10d: {  	v35 =	vmul.f32 $3.899999860e-01, v17;
	v6 =	vld.idx.msk [tilespmem:v6+s7+$0x0], $0xffff  }
0x10e: {  	v17 =	vmul.f32 v17, v17;
	v23 =	vmul.f32 $3.899999860e-01, v19;
	v8 =	vld.idx.msk [tilespmem:v8+s7+$0x0], $0xffff  }
0x10f: {  	v19 =	vmul.f32 v19, v19;
	v24 =	vmul.f32 $3.899999860e-01, v20;
	v9 =	vld.idx.msk [tilespmem:v9+s7+$0x0], $0xffff  }
0x110: {  	v20 =	vmul.f32 v20, v20;
	v28 =	vmul.f32 $3.899999860e-01, v21;
	v10 =	vld.idx.msk [tilespmem:v10+s7+$0x0], $0xffff  }
0x111: {  	v21 =	vmul.f32 v21, v21;
	v58 =	vmul.f32 $3.899999860e-01, v30;
	v11 =	vld.idx.msk [tilespmem:v11+s7+$0x0], $0xffff  }
0x112: {  	v30 =	vmul.f32 v30, v30;
	v59 =	vmul.f32 $3.899999860e-01, v31;
	v12 =	vld.idx.msk [tilespmem:v12+s7+$0x0], $0xffff  }
0x113: {  	v31 =	vmul.f32 v31, v31;
	v60 =	vmul.f32 $3.899999860e-01, v33;
	v13 =	vld.idx.msk [tilespmem:v13+s7+$0x0], $0xffff  }
0x114: {  	v33 =	vmul.f32 v33, v33;
	v17 =	vmul.f32 v17, v35;
	v14 =	vld.idx.msk [tilespmem:v14+s7+$0x0], $0xffff  }
0x115: {  	v19 =	vmul.f32 v19, v23;
	v20 =	vmul.f32 v20, v24;
	v15 =	vld.idx.msk [tilespmem:v15+s7+$0x0], $0xffff  }
0x116: {  	v26 =	vmul.f32 $3.899999860e-01, v18;
	v18 =	vmul.f32 v18, v18  }
0x117: {  	v0 =	vmul.f32 v1, v0;
	v2 =	vmul.f32 v2, v16  }
0x118: {  	v3 =	vmul.f32 v4, v3;
	v5 =	vmul.f32 v6, v5  }
0x119: {  	v8 =	vmul.f32 v9, v8;
	v10 =	vmul.f32 v11, v10  }
0x11a: {  	s28 =	simm.s32 $0x18FC0;
	v1 =	vld [tilespmem:s26+$0xFFFFFFF0];
	v12 =	vmul.f32 v13, v12;
	v14 =	vmul.f32 v15, v14  }
0x11b: {  	v16 =	vld [tilespmem:s28+$0x30];
	v18 =	vmul.f32 v18, v26;
	v0 =	vmul.f32 v7, v0  }
0x11c: {  	s20 =	simm.s32 $0x19FC0;
	v7 =	vld [tilespmem:s26+$0x10];
	v2 =	vmul.f32 v17, v2;
	v17 =	vmul.f32 v21, v28  }
0x11d: {  	v37 =	vld [tilespmem:s20+$0x30];
	v3 =	vmul.f32 v19, v3;
	v5 =	vmul.f32 v20, v5  }
0x11e: {  	v44 =	vld [tilespmem:s20+$0xFFFFFFF0];
	v21 =	vmul.f32 v31, v59;
	v10 =	vmul.f32 v18, v10;
	v22 =	vsub.f32 $0.0e+00, v0  }
0x11f: {  	v45 =	vld [tilespmem:s20+$0x0];
	v14 =	vmul.f32 v17, v14;
	v25 =	vmul.f32 $3.899999860e-01, v1  }
0x120: {  	v49 =	vld [tilespmem:s28+$0xFFFFFFC0];
	v19 =	vsub.f32 $0.0e+00, v2;
	v1 =	vmul.f32 v1, v1;
	v22 =	vmul.f32 $1.442695020e+00, v22  }
0x121: {  	v13 =	vld [tilespmem:s21+$0x30];
	v38 =	vsub.f32 $0.0e+00, v3;
	v27 =	vmul.f32 $3.899999860e-01, v7;
	v7 =	vmul.f32 v7, v7  }
0x122: {  	v11 =	vld [tilespmem:s28+$0xFFFFFFE0];
	v19 =	vmul.f32 $1.442695020e+00, v19;
	v1 =	vmul.f32 v1, v25  }
0x123: {  	v57 =	vld [tilespmem:s21+$0x20];
	v18 =	vmul.f32 $1.442695020e+00, v38;
	v7 =	vmul.f32 v7, v27  }
0x124: {  	v39 =	vsub.f32 $0.0e+00, v5;
	(erf) = vpow2.f32 v22;
	v16 =	vld.idx.msk [tilespmem:v16+s7+$0x0], $0xffff;
	v1 =	vmul.f32 v1, v8  }
0x125: {  	v0 =	vadd.f32 $1.000000000e+00, v0;
	(erf) = vpow2.f32 v19;
	v7 =	vmul.f32 v7, v12;
	v12 =	vld.idx.msk [tilespmem:v37+s7+$0x0], $0xffff  }
0x126: {  	v4 =	vld [tilespmem:s20+$0xFFFFFFC0];
	v41 =	vsub.f32 $0.0e+00, v10;
	v47 =	vmul.f32 $3.899999860e-01, v13;
	v40 =	vmul.f32 $1.442695020e+00, v39  }
0x127: {  	v13 =	vmul.f32 v13, v13;
	v8 =	vld [tilespmem:s20+$0xFFFFFFE0];
	(erf) = vpow2.f32 v18;
	v19 =	vsub.f32 $0.0e+00, v1  }
0x128: {  	v48 =	vld [tilespmem:s28+$0x10];
	v2 =	vadd.f32 $1.000000000e+00, v2;
	v42 =	vmul.f32 $1.442695020e+00, v41;
	(erf) = vpow2.f32 v40  }
0x129: {  	v32 =	vld [tilespmem:s21+$0xFFFFFFF0];
	v13 =	vmul.f32 v13, v47;
	v18 =	vmul.f32 $1.442695020e+00, v19;
	v43 =	vsub.f32 $0.0e+00, v7  }
0x12a: {  	v3 =	vadd.f32 $1.000000000e+00, v3;
	v61 =	vld.idx.msk [tilespmem:v11+s7+$0x0], $0xffff;
	v11 =	vmul.f32 $3.899999860e-01, v57;
	v12 =	vmul.f32 v12, v16  }
0x12b: {  	v6 =	vld [tilespmem:s28+$0xFFFFFFD0];
	v5 =	vadd.f32 $1.000000000e+00, v5;
	(erf) = vpow2.f32 v18;
	v18 =	vmul.f32 $1.442695020e+00, v43  }
0x12c: {  	v9 =	vld [tilespmem:s20+$0xFFFFFFD0];
	v10 =	vadd.f32 $1.000000000e+00, v10;
	(erf) = vpow2.f32 v42;
	v12 =	vmul.f32 v13, v12  }
0x12d: {  	v22 =	vld.idx.msk [tilespmem:v49+s7+$0x0], $0xffff;
	v1 =	vadd.f32 $1.000000000e+00, v1;
	v36 =	vpop (erf);
	(erf) = vpow2.f32 v18;
	v18 =	vsub.f32 $0.0e+00, v14  }
0x12e: {  	v4 =	vld.idx.msk [tilespmem:v4+s7+$0x0], $0xffff;
	v0 =	vmul.f32 v36, v0;
	v46 =	vsub.f32 $1.000000000e+00, v36;
	v50 =	vpop (erf);
	v29 =	vsub.f32 $0.0e+00, v12  }
0x12f: {  	s22 =	simm.s32 $0x1C780;
	v7 =	vadd.f32 $1.000000000e+00, v7;
	v8 =	vld.idx.msk [tilespmem:v8+s7+$0x0], $0xffff;
	v18 =	vmul.f32 $1.442695020e+00, v18;
	v25 =	vsub.f32 $1.000000000e+00, v50  }
0x130: {  	v13 =	vld [tilespmem:s21+$0xFFFFFFC0];
	v51 =	vpop (erf);
	v2 =	vmul.f32 v50, v2;
	v0 =	vsub.f32 $1.000000000e+00, v0;
	[tilespmem:s22+$0xFFFFFFF0] =	vst v46;
	v29 =	vmul.f32 $1.442695020e+00, v29  }
0x131: {  	v56 =	vld [tilespmem:s21+$0x10];
	v3 =	vmul.f32 v51, v3;
	v53 =	vpop (erf);
	v54 =	vsub.f32 $1.000000000e+00, v51;
	(erf) = vpow2.f32 v18;
	[tilespmem:s22+$0xFFFFFF80] =	vst v25  }
0x132: {  	v19 =	vld [tilespmem:s28+$0xFFFFFFF0];
	v5 =	vmul.f32 v53, v5;
	[tilespmem:s22+$0x70] =	vst v0;
	v0 =	vsub.f32 $1.000000000e+00, v2;
	(erf) = vpow2.f32 v29  }
0x133: {  	v15 =	vld [tilespmem:s28+$0x0];
	v22 =	vmul.f32 v4, v22;
	v14 =	vadd.f32 $1.000000000e+00, v14;
	v3 =	vsub.f32 $1.000000000e+00, v3;
	[tilespmem:s22+$0xFFFFFF90] =	vst v54  }
0x134: {  	v17 =	vld [tilespmem:s20+$0x10];
	v25 =	vmul.f32 v57, v57;
	v63 =	vmul.f32 v8, v61;
	v5 =	vsub.f32 $1.000000000e+00, v5;
	[tilespmem:s22+$0x0] =	vst v0  }
0x135: {  	v6 =	vld.idx.msk [tilespmem:v6+s7+$0x0], $0xffff;
	v34 =	vmul.f32 $3.899999860e-01, v13;
	v13 =	vmul.f32 v13, v13;
	v18 =	vpop (erf);
	v0 =	vsub.f32 $1.000000000e+00, v53;
	[tilespmem:s22+$0x10] =	vst v3  }
0x136: {  	v9 =	vld.idx.msk [tilespmem:v9+s7+$0x0], $0xffff;
	v1 =	vmul.f32 v18, v1;
	v2 =	vpop (erf);
	v3 =	vsub.f32 $1.000000000e+00, v18;
	v18 =	vmul.f32 $3.899999860e-01, v32;
	[tilespmem:s22+$0x20] =	vst v5  }
0x137: {  	v16 =	vld [tilespmem:s28+$0x20];
	v32 =	vmul.f32 v32, v32;
	v10 =	vmul.f32 v2, v10;
	v55 =	vpop (erf);
	[tilespmem:s22+$0xFFFFFFA0] =	vst v0;
	v2 =	vsub.f32 $1.000000000e+00, v2  }
0x138: {  	v52 =	vld [tilespmem:s20+$0x20];
	v5 =	vmul.f32 $3.899999860e-01, v56;
	v7 =	vmul.f32 v55, v7;
	v0 =	vsub.f32 $1.000000000e+00, v1;
	[tilespmem:s22+$0xFFFFFFB0] =	vst v3  }
0x139: {  	v23 =	vld.idx.msk [tilespmem:v44+s7+$0x0], $0xffff;
	v26 =	vsub.f32 $1.000000000e+00, v55;
	v3 =	vsub.f32 $1.000000000e+00, v10;
	v10 =	vmul.f32 v56, v56;
	[tilespmem:s22+$0xFFFFFFC0] =	vst v2  }
0x13a: {  	v12 =	vadd.f32 $1.000000000e+00, v12;
	v19 =	vld.idx.msk [tilespmem:v19+s7+$0x0], $0xffff;
	v13 =	vmul.f32 v13, v34;
	v1 =	vmul.f32 v30, v58;
	[tilespmem:s22+$0x30] =	vst v0;
	v62 =	vpop (erf)  }
0x13b: {  	v2 =	vld.idx.msk [tilespmem:v15+s7+$0x0], $0xffff;
	v7 =	vsub.f32 $1.000000000e+00, v7;
	v0 =	vmul.f32 v32, v18;
	[tilespmem:s22+$0xFFFFFFD0] =	vst v26;
	v4 =	vmul.f32 v10, v5;
	v18 =	vpop (erf)  }
0x13c: {  	[tilespmem:s22+$0x40] =	vst v3;
	v5 =	vmul.f32 v9, v6;
	v9 =	vld.idx.msk [tilespmem:v45+s7+$0x0], $0xffff;
	v15 =	vsub.f32 $1.000000000e+00, v62;
	v12 =	vmul.f32 v18, v12  }
0x13d: {  	v13 =	vmul.f32 v13, v22;
	v3 =	vmul.f32 v33, v60;
	v10 =	vld.idx.msk [tilespmem:v17+s7+$0x0], $0xffff;
	[tilespmem:s22+$0x50] =	vst v7;
	v18 =	vsub.f32 $1.000000000e+00, v18  }
0x13e: {  	s23 =	simm.s32 $0x1C880;
	v6 =	vmul.f32 v25, v11;
	v7 =	vld.idx.msk [tilespmem:v48+s7+$0x0], $0xffff;
	v11 =	vmul.f32 v1, v5;
	[tilespmem:s22+$0xFFFFFFE0] =	vst v15;
	v12 =	vsub.f32 $1.000000000e+00, v12  }
0x13f: {  	v8 =	vmul.f32 v62, v14;
	v5 =	vadd.f32 $1.000000000e+00, v13;
	v1 =	vld.idx.msk [tilespmem:v16+s7+$0x0], $0xffff;
	v15 =	vsub.f32 $0.0e+00, v13;
	[tilespmem:s23+$0xFFFFFFF0] =	vst v18  }
0x140: {  	s24 =	simm.s32 $0x80;
	s25 =	simm.s32 $0x19040;
	v16 =	vmul.f32 v23, v19;
	v13 =	vld.idx.msk [tilespmem:v52+s7+$0x0], $0xffff;
	v14 =	vsub.f32 $0.0e+00, v11;
	[tilespmem:s23+$0x70] =	vst v12;
	v12 =	vmul.f32 v21, v63  }
.LBB2_4:
0x141: {  	v17 =	vld [tilespmem:s25+$0x30];
	v15 =	vmul.f32 $1.442695020e+00, v15;
	v11 =	vadd.f32 $1.000000000e+00, v11;
	s20 =	sadd.s32 $0x80, s20;
	v8 =	vsub.f32 $1.000000000e+00, v8  }
0x142: {  	s24 =	sadd.s32 $0x80, s24;
	v9 =	vmul.f32 v9, v2;
	v18 =	vld [tilespmem:s20+$0x30];
	v19 =	vsub.f32 $0.0e+00, v12;
	v16 =	vmul.f32 v0, v16  }
0x143: {  	p0 =	slt.u32 s24, $0x780;
	v14 =	vmul.f32 $1.442695020e+00, v14;
	v12 =	vadd.f32 $1.000000000e+00, v12;
	v0 =	vld [tilespmem:s20+$0xFFFFFFC0];
	(erf) = vpow2.f32 v15;
	[tilespmem:s22+$0x60] =	vst v8;
	s22 =	smov.u32 s23  }
0x144: {  	v9 =	vmul.f32 v3, v9;
	v7 =	vmul.f32 v10, v7;
	v2 =	vld [tilespmem:s25+$0xFFFFFFD0];
	v8 =	vsub.f32 $0.0e+00, v16  }
0x145: {  	v10 =	vmul.f32 $1.442695020e+00, v19;
	v15 =	vadd.f32 $1.000000000e+00, v16;
	v3 =	vld [tilespmem:s20+$0xFFFFFFD0];
	(erf) = vpow2.f32 v14  }
0x146: {  	v16 =	vsub.f32 $0.0e+00, v9;
	v7 =	vmul.f32 v4, v7;
	v1 =	vmul.f32 v13, v1;
	v14 =	vld [tilespmem:s25+$0xFFFFFFE0]  }
0x147: {  	s21 =	sadd.s32 $0x80, s21;
	v9 =	vadd.f32 $1.000000000e+00, v9;
	v8 =	vmul.f32 $1.442695020e+00, v8;
	v4 =	vld [tilespmem:s20+$0xFFFFFFE0];
	(erf) = vpow2.f32 v10  }
0x148: {  	v13 =	vmul.f32 $1.442695020e+00, v16;
	v16 =	vsub.f32 $0.0e+00, v7;
	v1 =	vmul.f32 v6, v1;
	v10 =	vld [tilespmem:s21+$0x30]  }
0x149: {  	v7 =	vadd.f32 $1.000000000e+00, v7;
	v6 =	vld.idx.msk [tilespmem:v17+s7+$0x0], $0xffff;
	(erf) = vpow2.f32 v8  }
0x14a: {  	v16 =	vmul.f32 $1.442695020e+00, v16;
	v17 =	vsub.f32 $0.0e+00, v1;
	v8 =	vld.idx.msk [tilespmem:v18+s7+$0x0], $0xffff;
	(erf) = vpow2.f32 v13  }
0x14b: {  	v1 =	vadd.f32 $1.000000000e+00, v1;
	v13 =	vld [tilespmem:s25+$0xFFFFFFF0]  }
0x14c: {  	v17 =	vmul.f32 $1.442695020e+00, v17;
	v18 =	vld [tilespmem:s20+$0xFFFFFFF0];
	v19 =	vpop (erf);
	(erf) = vpow2.f32 v16  }
0x14d: {  	v16 =	vld [tilespmem:s25+$0x0];
	v24 =	vsub.f32 $1.000000000e+00, v19;
	v5 =	vmul.f32 v19, v5  }
0x14e: {  	v21 =	vmul.f32 $3.899999860e-01, v10;
	v10 =	vmul.f32 v10, v10;
	v19 =	vld [tilespmem:s20+$0x0];
	v22 =	vpop (erf)  }
0x14f: {  	v23 =	vld [tilespmem:s25+$0x10];
	[tilespmem:s23+$0xFFFFFF80] =	vst v24;
	v5 =	vsub.f32 $1.000000000e+00, v5;
	v11 =	vmul.f32 v22, v11;
	(erf) = vpow2.f32 v17  }
0x150: {  	v10 =	vmul.f32 v10, v21;
	v6 =	vmul.f32 v8, v6;
	v22 =	vsub.f32 $1.000000000e+00, v22;
	v17 =	vld [tilespmem:s20+$0x10];
	v20 =	vpop (erf)  }
0x151: {  	v21 =	vld [tilespmem:s25+$0x20];
	[tilespmem:s23+$0x0] =	vst v5;
	v5 =	vsub.f32 $1.000000000e+00, v11;
	v11 =	vsub.f32 $1.000000000e+00, v20;
	v12 =	vmul.f32 v20, v12  }
0x152: {  	v6 =	vmul.f32 v10, v6;
	v20 =	vld [tilespmem:s20+$0x20];
	[tilespmem:s23+$0xFFFFFF90] =	vst v22;
	v8 =	vpop (erf)  }
0x153: {  	v10 =	vld [tilespmem:s25+$0xFFFFFFC0];
	[tilespmem:s23+$0x10] =	vst v5;
	v5 =	vsub.f32 $1.000000000e+00, v12;
	v12 =	vsub.f32 $1.000000000e+00, v8;
	v25 =	vmul.f32 v8, v15;
	v15 =	vpop (erf)  }
0x154: {  	v24 =	vsub.f32 $0.0e+00, v6;
	v22 =	vld [tilespmem:s21+$0xFFFFFFC0];
	[tilespmem:s23+$0xFFFFFFA0] =	vst v11;
	v11 =	vsub.f32 $1.000000000e+00, v15;
	v9 =	vmul.f32 v15, v9  }
0x155: {  	v15 =	vld [tilespmem:s21+$0xFFFFFFD0];
	[tilespmem:s23+$0x20] =	vst v5;
	v5 =	vsub.f32 $1.000000000e+00, v25;
	v8 =	vpop (erf)  }
0x156: {  	v26 =	vmul.f32 $1.442695020e+00, v24;
	v25 =	vld [tilespmem:s21+$0xFFFFFFE0];
	[tilespmem:s23+$0xFFFFFFB0] =	vst v12;
	v9 =	vsub.f32 $1.000000000e+00, v9;
	v7 =	vmul.f32 v8, v7  }
0x157: {  	v12 =	vld [tilespmem:s21+$0xFFFFFFF0];
	[tilespmem:s23+$0x30] =	vst v5;
	v5 =	vsub.f32 $1.000000000e+00, v8  }
0x158: {  	v8 =	vld [tilespmem:s21+$0x0];
	(erf) = vpow2.f32 v26;
	[tilespmem:s23+$0x40] =	vst v9;
	v7 =	vsub.f32 $1.000000000e+00, v7;
	v24 =	vpop (erf)  }
0x159: {  	v9 =	vmul.f32 $3.899999860e-01, v22;
	v22 =	vmul.f32 v22, v22;
	v26 =	vld [tilespmem:s21+$0x10];
	[tilespmem:s23+$0xFFFFFFC0] =	vst v11;
	v11 =	vsub.f32 $1.000000000e+00, v24  }
0x15a: {  	v27 =	vmul.f32 $3.899999860e-01, v15;
	v15 =	vmul.f32 v15, v15;
	v28 =	vld [tilespmem:s21+$0x20];
	[tilespmem:s23+$0x50] =	vst v7  }
0x15b: {  	v7 =	vld.idx.msk [tilespmem:v10+s7+$0x0], $0xffff;
	v10 =	vmul.f32 $3.899999860e-01, v25;
	v25 =	vmul.f32 v25, v25;
	[tilespmem:s23+$0xFFFFFFD0] =	vst v5  }
0x15c: {  	v5 =	vld.idx.msk [tilespmem:v0+s7+$0x0], $0xffff;
	v0 =	vmul.f32 $3.899999860e-01, v12;
	v12 =	vmul.f32 v12, v12;
	[tilespmem:s23+$0xFFFFFFE0] =	vst v11  }
0x15d: {  	v11 =	vld.idx.msk [tilespmem:v2+s7+$0x0], $0xffff;
	v29 =	vmul.f32 $3.899999860e-01, v8;
	v8 =	vmul.f32 v8, v8  }
0x15e: {  	v30 =	vld.idx.msk [tilespmem:v3+s7+$0x0], $0xffff;
	v31 =	vmul.f32 $3.899999860e-01, v26;
	v26 =	vmul.f32 v26, v26  }
0x15f: {  	v14 =	vld.idx.msk [tilespmem:v14+s7+$0x0], $0xffff;
	v32 =	vmul.f32 $3.899999860e-01, v28;
	v28 =	vmul.f32 v28, v28  }
0x160: {  	v22 =	vmul.f32 v22, v9;
	v15 =	vmul.f32 v15, v27;
	v2 =	vadd.f32 $1.000000000e+00, v6;
	v27 =	vld.idx.msk [tilespmem:v4+s7+$0x0], $0xffff  }
0x161: {  	v25 =	vmul.f32 v25, v10;
	v0 =	vmul.f32 v12, v0;
	v13 =	vld.idx.msk [tilespmem:v13+s7+$0x0], $0xffff;
	v3 =	vpop (erf)  }
0x162: {  	v5 =	vmul.f32 v5, v7;
	v18 =	vld.idx.msk [tilespmem:v18+s7+$0x0], $0xffff;
	v12 =	vsub.f32 $1.000000000e+00, v3;
	v7 =	vmul.f32 v3, v2  }
0x163: {  	v4 =	vmul.f32 v26, v31;
	v3 =	vmul.f32 v8, v29;
	v2 =	vld.idx.msk [tilespmem:v16+s7+$0x0], $0xffff  }
.Ltmp1:
0x164: {  	v6 =	vmul.f32 v28, v32;
	v10 =	vmul.f32 v30, v11;
	v9 =	vld.idx.msk [tilespmem:v19+s7+$0x0], $0xffff;
	v16 =	vsub.f32 $1.000000000e+00, v7;
	(pc) =	sbr.rel @p0 .LBB2_4-.Ltmp1, $4  }
0x165: {  	s23 =	sadd.s32 $0x100, s23;
	v8 =	vmul.f32 v24, v1;
	v5 =	vmul.f32 v22, v5;
	v7 =	vld.idx.msk [tilespmem:v23+s7+$0x0], $0xffff  }
0x166: {  	v11 =	vmul.f32 v15, v10;
	v19 =	vmul.f32 v27, v14;
	v10 =	vld.idx.msk [tilespmem:v17+s7+$0x0], $0xffff;
	[tilespmem:s23+$0x70] =	vst v16  }
0x167: {  	v15 =	vsub.f32 $0.0e+00, v5;
	v5 =	vadd.f32 $1.000000000e+00, v5;
	v1 =	vld.idx.msk [tilespmem:v21+s7+$0x0], $0xffff;
	[tilespmem:s23+$0xFFFFFFF0] =	vst v12  }
0x168: {  	s25 =	sadd.s32 $0x80, s25;
	v14 =	vsub.f32 $0.0e+00, v11;
	v12 =	vmul.f32 v25, v19;
	v16 =	vmul.f32 v18, v13;
	v13 =	vld.idx.msk [tilespmem:v20+s7+$0x0], $0xffff  }
0x169: {  	v15 =	vmul.f32 $1.442695020e+00, v15;
	v2 =	vmul.f32 v9, v2  }
0x16a: {  	v0 =	vmul.f32 v0, v16;
	v37 =	vsub.f32 $0.0e+00, v12;
	v14 =	vmul.f32 $1.442695020e+00, v14  }
0x16b: {  	(erf) = vpow2.f32 v15;
	v2 =	vmul.f32 v3, v2  }
0x16c: {  	v9 =	vmul.f32 $1.442695020e+00, v37;
	(erf) = vpow2.f32 v14  }
0x16d: {  	v38 =	vmul.f32 v10, v7;
	v39 =	vsub.f32 $0.0e+00, v0  }
0x16e: {  	v40 =	vsub.f32 $0.0e+00, v2;
	v1 =	vmul.f32 v13, v1;
	(erf) = vpow2.f32 v9  }
0x16f: {  	v3 =	vmul.f32 v4, v38;
	v41 =	vmul.f32 $1.442695020e+00, v39  }
0x170: {  	v42 =	vmul.f32 $1.442695020e+00, v40;
	v1 =	vmul.f32 v6, v1  }
0x171: {  	v43 =	vsub.f32 $0.0e+00, v3;
	(erf) = vpow2.f32 v41  }
0x172: {  	(erf) = vpow2.f32 v42;
	v6 =	vsub.f32 $0.0e+00, v1  }
0x173: {  	v45 =	vadd.f32 $1.000000000e+00, v11;
	v44 =	vmul.f32 $1.442695020e+00, v43  }
0x174: {  	v47 =	vsub.f32 $1.000000000e+00, v8;
	v48 =	vadd.f32 $1.000000000e+00, v12;
	v6 =	vmul.f32 $1.442695020e+00, v6;
	v46 =	vpop (erf)  }
0x175: {  	(erf) = vpow2.f32 v44;
	v5 =	vmul.f32 v46, v5;
	v9 =	vsub.f32 $1.000000000e+00, v46;
	v49 =	vpop (erf)  }
0x176: {  	[tilespmem:s22+$0x60] =	vst v47;
	(erf) = vpow2.f32 v6;
	v51 =	vmul.f32 v49, v45;
	v52 =	vsub.f32 $1.000000000e+00, v49  }
0x177: {  	v50 =	vsub.f32 $1.000000000e+00, v5;
	[tilespmem:s23+$0xFFFFFF80] =	vst v9;
	v53 =	vpop (erf)  }
0x178: {  	v54 =	vsub.f32 $1.000000000e+00, v51;
	v55 =	vmul.f32 v53, v48;
	[tilespmem:s23+$0xFFFFFF90] =	vst v52  }
0x179: {  	v0 =	vadd.f32 $1.000000000e+00, v0;
	v7 =	vsub.f32 $1.000000000e+00, v53;
	[tilespmem:s23+$0x0] =	vst v50  }
0x17a: {  	v2 =	vadd.f32 $1.000000000e+00, v2;
	v56 =	vpop (erf);
	[tilespmem:s23+$0x10] =	vst v54;
	v57 =	vsub.f32 $1.000000000e+00, v55  }
0x17b: {  	v0 =	vmul.f32 v56, v0;
	v58 =	vpop (erf);
	v6 =	vsub.f32 $1.000000000e+00, v56;
	[tilespmem:s23+$0xFFFFFFA0] =	vst v7  }
0x17c: {  	v2 =	vmul.f32 v58, v2;
	v5 =	vsub.f32 $1.000000000e+00, v58;
	[tilespmem:s23+$0x20] =	vst v57  }
0x17d: {  	v3 =	vadd.f32 $1.000000000e+00, v3;
	v0 =	vsub.f32 $1.000000000e+00, v0;
	[tilespmem:s23+$0xFFFFFFB0] =	vst v6  }
0x17e: {  	v1 =	vadd.f32 $1.000000000e+00, v1;
	v59 =	vpop (erf);
	v2 =	vsub.f32 $1.000000000e+00, v2;
	[tilespmem:s23+$0xFFFFFFC0] =	vst v5  }
0x17f: {  	v3 =	vmul.f32 v59, v3;
	[tilespmem:s23+$0x30] =	vst v0;
	v61 =	vpop (erf);
	v62 =	vsub.f32 $1.000000000e+00, v59  }
0x180: {  	[tilespmem:s23+$0x40] =	vst v2;
	v1 =	vmul.f32 v61, v1;
	v2 =	vsub.f32 $1.000000000e+00, v61  }
0x181: {  	v60 =	vsub.f32 $1.000000000e+00, v3;
	[tilespmem:s23+$0xFFFFFFD0] =	vst v62  }
0x182: {  	v63 =	vsub.f32 $1.000000000e+00, v1;
	[tilespmem:s23+$0xFFFFFFE0] =	vst v2  }
0x183: {  	[tilespmem:s23+$0x50] =	vst v60  }
0x184: {  	[tilespmem:s23+$0x60] =	vst v63  }
0x185: {  	s20 =	rddreg [dreg:$0x11]  }
0x186: {  	[hbm4b:s20+s7] =	stream.linear.scatter [tilespmem:s15], [sflag:$0x4], $0x1000, $0x38;
	[tilespmem:$0x1EF70] =	vst v63  }
0x187: {  	s25 =	rddreg [dreg:$0x12]  }
0x188: {  	[tilespmem:s5], [sflag:$0x2] =	stream.linear.gather [hbm4b:s25+s7], $0x800, $0x38;
	[tilespmem:$0x1EF70] =	vst v63  }
0x189: {  	s26 =	rddreg [dreg:$0x13]  }
0x18a: {  	[tilespmem:s1], [sflag:$0x2] =	stream.linear.gather [hbm4b:s26+s7], $0x800, $0x38;
	[tilespmem:$0x1EF70] =	vst v63  }
0x18b: {  	s28 =	rddreg [dreg:$0x14];
	s20 =	simm.s32 $0x1  }
0x18c: {  	[tilespmem:s6], [sflag:$0x2] =	stream.linear.gather [hbm4b:s28+s7], $0x800, $0x38;
	[tilespmem:$0x1EF70] =	vst v63  }
.LBB2_6:
0x18d: {  	_ =	swait.ge [sflag:s12], $0x800  }
0x18e: {  	[sflag:s12] =	ssyncset.done $0x0  }
0x18f: {  	[sflag:s12] =	ssyncadd.s32 $0xFFFFF800  }
0x190: {  	_ =	swait.ge [sflag:s12], $0x800  }
0x191: {  	[sflag:s12] =	ssyncset.done $0x0  }
0x192: {  	[sflag:s12] =	ssyncadd.s32 $0xFFFFF800  }
0x193: {  	_ =	swait.ge [sflag:s12], $0x800  }
0x194: {  	[sflag:s12] =	ssyncset.done $0x0  }
0x195: {  	[sflag:s12] =	ssyncadd.s32 $0xFFFFF800  }
0x196: {  	_ =	swait.ge [sflag:s16], $0x1000  }
0x197: {  	[sflag:s16] =	ssyncset.done $0x0  }
0x198: {  	s21 =	simm.s32 $0x18740;
	[sflag:s16] =	ssyncadd.s32 $0xFFFFF000  }
0x199: {  	s22 =	simm.s32 $0x19740;
	v0 =	vld [tilespmem:s21+$0x30]  }
0x19a: {  	v1 =	vld [tilespmem:s22+$0x30]  }
0x19b: {  	v2 =	vld [tilespmem:s22+$0xFFFFFFC0]  }
0x19c: {  	v3 =	vld [tilespmem:s21+$0xFFFFFFD0]  }
0x19d: {  	v4 =	vld [tilespmem:s22+$0xFFFFFFD0]  }
0x19e: {  	v5 =	vld [tilespmem:s21+$0xFFFFFFE0]  }
0x19f: {  	s23 =	simm.s32 $0x1A740;
	v6 =	vld [tilespmem:s22+$0xFFFFFFE0]  }
0x1a0: {  	v7 =	vld [tilespmem:s23+$0x30]  }
0x1a1: {  	v8 =	vld [tilespmem:s21+$0xFFFFFFF0]  }
0x1a2: {  	v9 =	vld [tilespmem:s22+$0xFFFFFFF0]  }
0x1a3: {  	v10 =	vld [tilespmem:s21+$0x0]  }
0x1a4: {  	v11 =	vld [tilespmem:s22+$0x0]  }
0x1a5: {  	v12 =	vld [tilespmem:s21+$0x10]  }
0x1a6: {  	v13 =	vld [tilespmem:s22+$0x10]  }
0x1a7: {  	v14 =	vld [tilespmem:s21+$0x20]  }
0x1a8: {  	v15 =	vld [tilespmem:s22+$0x20]  }
0x1a9: {  	v16 =	vld [tilespmem:s21+$0xFFFFFFC0]  }
0x1aa: {  	v17 =	vld [tilespmem:s23+$0xFFFFFFC0]  }
0x1ab: {  	v19 =	vld [tilespmem:s23+$0xFFFFFFD0]  }
0x1ac: {  	v20 =	vld [tilespmem:s23+$0xFFFFFFE0]  }
0x1ad: {  	v21 =	vld [tilespmem:s23+$0x20];
	s22 =	simm.s32 $0x1A7C0  }
0x1ae: {  	v30 =	vld [tilespmem:s22+$0xFFFFFFD0]  }
0x1af: {  	v31 =	vld [tilespmem:s22+$0xFFFFFFE0];
	v18 =	vmul.f32 $3.899999860e-01, v7;
	v7 =	vmul.f32 v7, v7  }
0x1b0: {  	v33 =	vld [tilespmem:s22+$0x0]  }
0x1b1: {  	v7 =	vmul.f32 v7, v18;
	v18 =	vld [tilespmem:s23+$0x0]  }
0x1b2: {  	v0 =	vld.idx.msk [tilespmem:v0+s7+$0x0], $0xffff  }
0x1b3: {  	v1 =	vld.idx.msk [tilespmem:v1+s7+$0x0], $0xffff  }
0x1b4: {  	v16 =	vld.idx.msk [tilespmem:v16+s7+$0x0], $0xffff  }
0x1b5: {  	v2 =	vld.idx.msk [tilespmem:v2+s7+$0x0], $0xffff  }
0x1b6: {  	v3 =	vld.idx.msk [tilespmem:v3+s7+$0x0], $0xffff  }
0x1b7: {  	v4 =	vld.idx.msk [tilespmem:v4+s7+$0x0], $0xffff  }
0x1b8: {  	v35 =	vmul.f32 $3.899999860e-01, v17;
	v5 =	vld.idx.msk [tilespmem:v5+s7+$0x0], $0xffff  }
0x1b9: {  	v17 =	vmul.f32 v17, v17;
	v23 =	vmul.f32 $3.899999860e-01, v19;
	v6 =	vld.idx.msk [tilespmem:v6+s7+$0x0], $0xffff  }
0x1ba: {  	v19 =	vmul.f32 v19, v19;
	v24 =	vmul.f32 $3.899999860e-01, v20;
	v8 =	vld.idx.msk [tilespmem:v8+s7+$0x0], $0xffff  }
0x1bb: {  	v20 =	vmul.f32 v20, v20;
	v28 =	vmul.f32 $3.899999860e-01, v21;
	v9 =	vld.idx.msk [tilespmem:v9+s7+$0x0], $0xffff  }
0x1bc: {  	v21 =	vmul.f32 v21, v21;
	v58 =	vmul.f32 $3.899999860e-01, v30;
	v10 =	vld.idx.msk [tilespmem:v10+s7+$0x0], $0xffff  }
0x1bd: {  	v30 =	vmul.f32 v30, v30;
	v59 =	vmul.f32 $3.899999860e-01, v31;
	v11 =	vld.idx.msk [tilespmem:v11+s7+$0x0], $0xffff  }
0x1be: {  	v31 =	vmul.f32 v31, v31;
	v60 =	vmul.f32 $3.899999860e-01, v33;
	v12 =	vld.idx.msk [tilespmem:v12+s7+$0x0], $0xffff  }
0x1bf: {  	v33 =	vmul.f32 v33, v33;
	v17 =	vmul.f32 v17, v35;
	v13 =	vld.idx.msk [tilespmem:v13+s7+$0x0], $0xffff  }
0x1c0: {  	v19 =	vmul.f32 v19, v23;
	v14 =	vld.idx.msk [tilespmem:v14+s7+$0x0], $0xffff;
	v0 =	vmul.f32 v1, v0  }
0x1c1: {  	v20 =	vmul.f32 v20, v24;
	v15 =	vld.idx.msk [tilespmem:v15+s7+$0x0], $0xffff;
	v26 =	vmul.f32 $3.899999860e-01, v18  }
0x1c2: {  	v18 =	vmul.f32 v18, v18;
	v0 =	vmul.f32 v7, v0  }
0x1c3: {  	v2 =	vmul.f32 v2, v16;
	v3 =	vmul.f32 v4, v3  }
0x1c4: {  	v5 =	vmul.f32 v6, v5;
	v8 =	vmul.f32 v9, v8;
	v22 =	vsub.f32 $0.0e+00, v0  }
0x1c5: {  	s28 =	simm.s32 $0x187C0;
	v1 =	vld [tilespmem:s23+$0xFFFFFFF0];
	v10 =	vmul.f32 v11, v10;
	v12 =	vmul.f32 v13, v12  }
0x1c6: {  	v16 =	vld [tilespmem:s28+$0x30];
	v14 =	vmul.f32 v15, v14;
	v22 =	vmul.f32 $1.442695020e+00, v22  }
0x1c7: {  	s21 =	simm.s32 $0x197C0;
	v18 =	vmul.f32 v18, v26;
	v7 =	vld [tilespmem:s23+$0x10];
	v2 =	vmul.f32 v17, v2  }
0x1c8: {  	v37 =	vld [tilespmem:s21+$0x30];
	v17 =	vmul.f32 v21, v28;
	(erf) = vpow2.f32 v22  }
0x1c9: {  	v48 =	vld [tilespmem:s28+$0x10];
	v3 =	vmul.f32 v19, v3;
	v5 =	vmul.f32 v20, v5  }
0x1ca: {  	v49 =	vld [tilespmem:s28+$0xFFFFFFC0];
	v21 =	vmul.f32 v31, v59;
	v10 =	vmul.f32 v18, v10  }
0x1cb: {  	v44 =	vld [tilespmem:s21+$0xFFFFFFF0];
	v25 =	vmul.f32 $3.899999860e-01, v1;
	v1 =	vmul.f32 v1, v1  }
0x1cc: {  	v13 =	vld [tilespmem:s22+$0x30];
	v27 =	vmul.f32 $3.899999860e-01, v7;
	v7 =	vmul.f32 v7, v7  }
0x1cd: {  	v45 =	vld [tilespmem:s21+$0x0];
	v19 =	vsub.f32 $0.0e+00, v2;
	v38 =	vsub.f32 $0.0e+00, v3;
	v14 =	vmul.f32 v17, v14  }
0x1ce: {  	v32 =	vld [tilespmem:s22+$0xFFFFFFF0];
	v0 =	vadd.f32 $1.000000000e+00, v0;
	v1 =	vmul.f32 v1, v25;
	v7 =	vmul.f32 v7, v27  }
0x1cf: {  	v39 =	vsub.f32 $0.0e+00, v5;
	v19 =	vmul.f32 $1.442695020e+00, v19;
	v18 =	vmul.f32 $1.442695020e+00, v38;
	v16 =	vld.idx.msk [tilespmem:v16+s7+$0x0], $0xffff  }
0x1d0: {  	v2 =	vadd.f32 $1.000000000e+00, v2;
	v1 =	vmul.f32 v1, v8;
	v7 =	vmul.f32 v7, v12;
	v12 =	vld.idx.msk [tilespmem:v37+s7+$0x0], $0xffff  }
0x1d1: {  	v11 =	vld [tilespmem:s28+$0xFFFFFFE0];
	v41 =	vsub.f32 $0.0e+00, v10;
	v47 =	vmul.f32 $3.899999860e-01, v13;
	v36 =	vpop (erf);
	(erf) = vpow2.f32 v19  }
0x1d2: {  	v4 =	vld [tilespmem:s21+$0xFFFFFFC0];
	v40 =	vmul.f32 $1.442695020e+00, v39;
	v19 =	vsub.f32 $0.0e+00, v1;
	(erf) = vpow2.f32 v18  }
0x1d3: {  	v3 =	vadd.f32 $1.000000000e+00, v3;
	v13 =	vmul.f32 v13, v13;
	v42 =	vmul.f32 $1.442695020e+00, v41;
	v8 =	vld [tilespmem:s21+$0xFFFFFFE0]  }
0x1d4: {  	v57 =	vld [tilespmem:s22+$0x20];
	v43 =	vsub.f32 $0.0e+00, v7;
	v18 =	vmul.f32 $1.442695020e+00, v19;
	(erf) = vpow2.f32 v40  }
0x1d5: {  	v6 =	vld [tilespmem:s28+$0xFFFFFFD0];
	v5 =	vadd.f32 $1.000000000e+00, v5;
	v13 =	vmul.f32 v13, v47;
	v12 =	vmul.f32 v12, v16  }
0x1d6: {  	v9 =	vld [tilespmem:s21+$0xFFFFFFD0];
	v10 =	vadd.f32 $1.000000000e+00, v10;
	(erf) = vpow2.f32 v18;
	v18 =	vmul.f32 $1.442695020e+00, v43  }
0x1d7: {  	v22 =	vld.idx.msk [tilespmem:v49+s7+$0x0], $0xffff;
	v7 =	vadd.f32 $1.000000000e+00, v7;
	v12 =	vmul.f32 v13, v12;
	(erf) = vpow2.f32 v42  }
0x1d8: {  	v0 =	vmul.f32 v36, v0;
	v13 =	vld [tilespmem:s22+$0xFFFFFFC0];
	(erf) = vpow2.f32 v18;
	v18 =	vsub.f32 $0.0e+00, v14  }
0x1d9: {  	v61 =	vld.idx.msk [tilespmem:v11+s7+$0x0], $0xffff;
	v11 =	vmul.f32 $3.899999860e-01, v57;
	v46 =	vsub.f32 $1.000000000e+00, v36;
	v29 =	vsub.f32 $0.0e+00, v12  }
0x1da: {  	s23 =	simm.s32 $0x1B780;
	v4 =	vld.idx.msk [tilespmem:v4+s7+$0x0], $0xffff;
	v1 =	vadd.f32 $1.000000000e+00, v1;
	v0 =	vsub.f32 $1.000000000e+00, v0;
	v18 =	vmul.f32 $1.442695020e+00, v18;
	v50 =	vpop (erf)  }
0x1db: {  	v8 =	vld.idx.msk [tilespmem:v8+s7+$0x0], $0xffff;
	[tilespmem:s23+$0xFFFFFFF0] =	vst v46;
	v29 =	vmul.f32 $1.442695020e+00, v29;
	v51 =	vpop (erf);
	v2 =	vmul.f32 v50, v2;
	v25 =	vsub.f32 $1.000000000e+00, v50  }
0x1dc: {  	v56 =	vld [tilespmem:s22+$0x10];
	[tilespmem:s23+$0x70] =	vst v0;
	(erf) = vpow2.f32 v18;
	v3 =	vmul.f32 v51, v3;
	v54 =	vsub.f32 $1.000000000e+00, v51  }
0x1dd: {  	v19 =	vld [tilespmem:s28+$0xFFFFFFF0];
	v34 =	vmul.f32 $3.899999860e-01, v13;
	v53 =	vpop (erf);
	(erf) = vpow2.f32 v29;
	v0 =	vsub.f32 $1.000000000e+00, v2;
	[tilespmem:s23+$0xFFFFFF80] =	vst v25  }
0x1de: {  	v15 =	vld [tilespmem:s28+$0x0];
	v13 =	vmul.f32 v13, v13;
	v5 =	vmul.f32 v53, v5;
	v3 =	vsub.f32 $1.000000000e+00, v3;
	[tilespmem:s23+$0xFFFFFF90] =	vst v54  }
0x1df: {  	v17 =	vld [tilespmem:s21+$0x10];
	v22 =	vmul.f32 v4, v22;
	v12 =	vadd.f32 $1.000000000e+00, v12;
	v18 =	vpop (erf);
	[tilespmem:s23+$0x0] =	vst v0;
	v0 =	vsub.f32 $1.000000000e+00, v53  }
0x1e0: {  	v6 =	vld.idx.msk [tilespmem:v6+s7+$0x0], $0xffff;
	v63 =	vmul.f32 v8, v61;
	v13 =	vmul.f32 v13, v34;
	v2 =	vpop (erf);
	v5 =	vsub.f32 $1.000000000e+00, v5;
	[tilespmem:s23+$0x10] =	vst v3  }
0x1e1: {  	v9 =	vld.idx.msk [tilespmem:v9+s7+$0x0], $0xffff;
	v1 =	vmul.f32 v18, v1;
	v10 =	vmul.f32 v2, v10;
	v3 =	vsub.f32 $1.000000000e+00, v18;
	[tilespmem:s23+$0xFFFFFFA0] =	vst v0  }
0x1e2: {  	v16 =	vld [tilespmem:s28+$0x20];
	v55 =	vpop (erf);
	v18 =	vmul.f32 $3.899999860e-01, v32;
	v32 =	vmul.f32 v32, v32;
	v2 =	vsub.f32 $1.000000000e+00, v2;
	[tilespmem:s23+$0x20] =	vst v5  }
0x1e3: {  	v52 =	vld [tilespmem:s21+$0x20];
	v7 =	vmul.f32 v55, v7;
	v0 =	vsub.f32 $1.000000000e+00, v1;
	v5 =	vmul.f32 $3.899999860e-01, v56;
	[tilespmem:s23+$0xFFFFFFB0] =	vst v3  }
0x1e4: {  	v23 =	vld.idx.msk [tilespmem:v44+s7+$0x0], $0xffff;
	v26 =	vsub.f32 $1.000000000e+00, v55;
	v3 =	vsub.f32 $1.000000000e+00, v10;
	v10 =	vmul.f32 v56, v56;
	[tilespmem:s23+$0xFFFFFFC0] =	vst v2  }
0x1e5: {  	v14 =	vadd.f32 $1.000000000e+00, v14;
	v19 =	vld.idx.msk [tilespmem:v19+s7+$0x0], $0xffff;
	v25 =	vmul.f32 v57, v57;
	v1 =	vmul.f32 v30, v58;
	[tilespmem:s23+$0x30] =	vst v0;
	v62 =	vpop (erf)  }
0x1e6: {  	v2 =	vld.idx.msk [tilespmem:v15+s7+$0x0], $0xffff;
	v7 =	vsub.f32 $1.000000000e+00, v7;
	v0 =	vmul.f32 v32, v18;
	[tilespmem:s23+$0xFFFFFFD0] =	vst v26;
	v4 =	vmul.f32 v10, v5;
	v18 =	vpop (erf)  }
0x1e7: {  	[tilespmem:s23+$0x40] =	vst v3;
	v5 =	vmul.f32 v9, v6;
	v9 =	vld.idx.msk [tilespmem:v45+s7+$0x0], $0xffff;
	v15 =	vsub.f32 $1.000000000e+00, v62;
	v12 =	vmul.f32 v18, v12  }
0x1e8: {  	v13 =	vmul.f32 v13, v22;
	v3 =	vmul.f32 v33, v60;
	v10 =	vld.idx.msk [tilespmem:v17+s7+$0x0], $0xffff;
	[tilespmem:s23+$0x50] =	vst v7;
	v18 =	vsub.f32 $1.000000000e+00, v18  }
0x1e9: {  	s24 =	simm.s32 $0x1B880;
	v6 =	vmul.f32 v25, v11;
	v7 =	vld.idx.msk [tilespmem:v48+s7+$0x0], $0xffff;
	v11 =	vmul.f32 v1, v5;
	[tilespmem:s23+$0xFFFFFFE0] =	vst v15;
	v12 =	vsub.f32 $1.000000000e+00, v12  }
0x1ea: {  	v8 =	vmul.f32 v62, v14;
	v5 =	vadd.f32 $1.000000000e+00, v13;
	v1 =	vld.idx.msk [tilespmem:v16+s7+$0x0], $0xffff;
	v15 =	vsub.f32 $0.0e+00, v13;
	[tilespmem:s24+$0xFFFFFFF0] =	vst v18  }
0x1eb: {  	s25 =	simm.s32 $0x80;
	s26 =	simm.s32 $0x18840;
	v16 =	vmul.f32 v23, v19;
	v13 =	vld.idx.msk [tilespmem:v52+s7+$0x0], $0xffff;
	v14 =	vsub.f32 $0.0e+00, v11;
	[tilespmem:s24+$0x70] =	vst v12;
	v12 =	vmul.f32 v21, v63  }
.LBB2_7:
0x1ec: {  	v17 =	vld [tilespmem:s26+$0x30];
	v15 =	vmul.f32 $1.442695020e+00, v15;
	v11 =	vadd.f32 $1.000000000e+00, v11;
	s21 =	sadd.s32 $0x80, s21;
	v8 =	vsub.f32 $1.000000000e+00, v8  }
0x1ed: {  	s25 =	sadd.s32 $0x80, s25;
	v9 =	vmul.f32 v9, v2;
	v18 =	vld [tilespmem:s21+$0x30];
	v19 =	vsub.f32 $0.0e+00, v12;
	v16 =	vmul.f32 v0, v16  }
0x1ee: {  	p0 =	slt.u32 s25, $0x780;
	v14 =	vmul.f32 $1.442695020e+00, v14;
	v12 =	vadd.f32 $1.000000000e+00, v12;
	v0 =	vld [tilespmem:s21+$0xFFFFFFC0];
	(erf) = vpow2.f32 v15;
	[tilespmem:s23+$0x60] =	vst v8;
	s23 =	smov.u32 s24  }
0x1ef: {  	v9 =	vmul.f32 v3, v9;
	v7 =	vmul.f32 v10, v7;
	v2 =	vld [tilespmem:s26+$0xFFFFFFD0];
	v8 =	vsub.f32 $0.0e+00, v16  }
0x1f0: {  	v10 =	vmul.f32 $1.442695020e+00, v19;
	v15 =	vadd.f32 $1.000000000e+00, v16;
	v3 =	vld [tilespmem:s21+$0xFFFFFFD0];
	(erf) = vpow2.f32 v14  }
0x1f1: {  	v16 =	vsub.f32 $0.0e+00, v9;
	v7 =	vmul.f32 v4, v7;
	v1 =	vmul.f32 v13, v1;
	v14 =	vld [tilespmem:s26+$0xFFFFFFE0]  }
0x1f2: {  	s22 =	sadd.s32 $0x80, s22;
	v9 =	vadd.f32 $1.000000000e+00, v9;
	v8 =	vmul.f32 $1.442695020e+00, v8;
	v4 =	vld [tilespmem:s21+$0xFFFFFFE0];
	(erf) = vpow2.f32 v10  }
0x1f3: {  	v13 =	vmul.f32 $1.442695020e+00, v16;
	v16 =	vsub.f32 $0.0e+00, v7;
	v1 =	vmul.f32 v6, v1;
	v10 =	vld [tilespmem:s22+$0x30]  }
0x1f4: {  	v7 =	vadd.f32 $1.000000000e+00, v7;
	v6 =	vld.idx.msk [tilespmem:v17+s7+$0x0], $0xffff;
	(erf) = vpow2.f32 v8  }
0x1f5: {  	v16 =	vmul.f32 $1.442695020e+00, v16;
	v17 =	vsub.f32 $0.0e+00, v1;
	v8 =	vld.idx.msk [tilespmem:v18+s7+$0x0], $0xffff;
	(erf) = vpow2.f32 v13  }
0x1f6: {  	v1 =	vadd.f32 $1.000000000e+00, v1;
	v13 =	vld [tilespmem:s26+$0xFFFFFFF0]  }
0x1f7: {  	v17 =	vmul.f32 $1.442695020e+00, v17;
	v18 =	vld [tilespmem:s21+$0xFFFFFFF0];
	v19 =	vpop (erf);
	(erf) = vpow2.f32 v16  }
0x1f8: {  	v16 =	vld [tilespmem:s26+$0x0];
	v24 =	vsub.f32 $1.000000000e+00, v19;
	v5 =	vmul.f32 v19, v5  }
0x1f9: {  	v21 =	vmul.f32 $3.899999860e-01, v10;
	v10 =	vmul.f32 v10, v10;
	v19 =	vld [tilespmem:s21+$0x0];
	v22 =	vpop (erf)  }
0x1fa: {  	v23 =	vld [tilespmem:s26+$0x10];
	[tilespmem:s24+$0xFFFFFF80] =	vst v24;
	v5 =	vsub.f32 $1.000000000e+00, v5;
	v11 =	vmul.f32 v22, v11;
	(erf) = vpow2.f32 v17  }
0x1fb: {  	v10 =	vmul.f32 v10, v21;
	v6 =	vmul.f32 v8, v6;
	v22 =	vsub.f32 $1.000000000e+00, v22;
	v17 =	vld [tilespmem:s21+$0x10];
	v20 =	vpop (erf)  }
0x1fc: {  	v21 =	vld [tilespmem:s26+$0x20];
	[tilespmem:s24+$0x0] =	vst v5;
	v5 =	vsub.f32 $1.000000000e+00, v11;
	v11 =	vsub.f32 $1.000000000e+00, v20;
	v12 =	vmul.f32 v20, v12  }
0x1fd: {  	v6 =	vmul.f32 v10, v6;
	v20 =	vld [tilespmem:s21+$0x20];
	[tilespmem:s24+$0xFFFFFF90] =	vst v22;
	v8 =	vpop (erf)  }
0x1fe: {  	v10 =	vld [tilespmem:s26+$0xFFFFFFC0];
	[tilespmem:s24+$0x10] =	vst v5;
	v5 =	vsub.f32 $1.000000000e+00, v12;
	v12 =	vsub.f32 $1.000000000e+00, v8;
	v25 =	vmul.f32 v8, v15;
	v15 =	vpop (erf)  }
0x1ff: {  	v24 =	vsub.f32 $0.0e+00, v6;
	v22 =	vld [tilespmem:s22+$0xFFFFFFC0];
	[tilespmem:s24+$0xFFFFFFA0] =	vst v11;
	v11 =	vsub.f32 $1.000000000e+00, v15;
	v9 =	vmul.f32 v15, v9  }
0x200: {  	v15 =	vld [tilespmem:s22+$0xFFFFFFD0];
	[tilespmem:s24+$0x20] =	vst v5;
	v5 =	vsub.f32 $1.000000000e+00, v25;
	v8 =	vpop (erf)  }
0x201: {  	v26 =	vmul.f32 $1.442695020e+00, v24;
	v25 =	vld [tilespmem:s22+$0xFFFFFFE0];
	[tilespmem:s24+$0xFFFFFFB0] =	vst v12;
	v9 =	vsub.f32 $1.000000000e+00, v9;
	v7 =	vmul.f32 v8, v7  }
0x202: {  	v12 =	vld [tilespmem:s22+$0xFFFFFFF0];
	[tilespmem:s24+$0x30] =	vst v5;
	v5 =	vsub.f32 $1.000000000e+00, v8  }
0x203: {  	v8 =	vld [tilespmem:s22+$0x0];
	(erf) = vpow2.f32 v26;
	[tilespmem:s24+$0x40] =	vst v9;
	v7 =	vsub.f32 $1.000000000e+00, v7;
	v24 =	vpop (erf)  }
0x204: {  	v9 =	vmul.f32 $3.899999860e-01, v22;
	v22 =	vmul.f32 v22, v22;
	v26 =	vld [tilespmem:s22+$0x10];
	[tilespmem:s24+$0xFFFFFFC0] =	vst v11;
	v11 =	vsub.f32 $1.000000000e+00, v24  }
0x205: {  	v27 =	vmul.f32 $3.899999860e-01, v15;
	v15 =	vmul.f32 v15, v15;
	v28 =	vld [tilespmem:s22+$0x20];
	[tilespmem:s24+$0x50] =	vst v7  }
0x206: {  	v7 =	vld.idx.msk [tilespmem:v10+s7+$0x0], $0xffff;
	v10 =	vmul.f32 $3.899999860e-01, v25;
	v25 =	vmul.f32 v25, v25;
	[tilespmem:s24+$0xFFFFFFD0] =	vst v5  }
0x207: {  	v5 =	vld.idx.msk [tilespmem:v0+s7+$0x0], $0xffff;
	v0 =	vmul.f32 $3.899999860e-01, v12;
	v12 =	vmul.f32 v12, v12;
	[tilespmem:s24+$0xFFFFFFE0] =	vst v11  }
0x208: {  	v11 =	vld.idx.msk [tilespmem:v2+s7+$0x0], $0xffff;
	v29 =	vmul.f32 $3.899999860e-01, v8;
	v8 =	vmul.f32 v8, v8  }
0x209: {  	v30 =	vld.idx.msk [tilespmem:v3+s7+$0x0], $0xffff;
	v31 =	vmul.f32 $3.899999860e-01, v26;
	v26 =	vmul.f32 v26, v26  }
0x20a: {  	v14 =	vld.idx.msk [tilespmem:v14+s7+$0x0], $0xffff;
	v32 =	vmul.f32 $3.899999860e-01, v28;
	v28 =	vmul.f32 v28, v28  }
0x20b: {  	v22 =	vmul.f32 v22, v9;
	v15 =	vmul.f32 v15, v27;
	v2 =	vadd.f32 $1.000000000e+00, v6;
	v27 =	vld.idx.msk [tilespmem:v4+s7+$0x0], $0xffff  }
0x20c: {  	v25 =	vmul.f32 v25, v10;
	v0 =	vmul.f32 v12, v0;
	v13 =	vld.idx.msk [tilespmem:v13+s7+$0x0], $0xffff;
	v3 =	vpop (erf)  }
0x20d: {  	v5 =	vmul.f32 v5, v7;
	v18 =	vld.idx.msk [tilespmem:v18+s7+$0x0], $0xffff;
	v12 =	vsub.f32 $1.000000000e+00, v3;
	v7 =	vmul.f32 v3, v2  }
0x20e: {  	v4 =	vmul.f32 v26, v31;
	v3 =	vmul.f32 v8, v29;
	v2 =	vld.idx.msk [tilespmem:v16+s7+$0x0], $0xffff  }
.Ltmp2:
0x20f: {  	v6 =	vmul.f32 v28, v32;
	v10 =	vmul.f32 v30, v11;
	v9 =	vld.idx.msk [tilespmem:v19+s7+$0x0], $0xffff;
	v16 =	vsub.f32 $1.000000000e+00, v7;
	(pc) =	sbr.rel @p0 .LBB2_7-.Ltmp2, $4  }
0x210: {  	s24 =	sadd.s32 $0x100, s24;
	v8 =	vmul.f32 v24, v1;
	v5 =	vmul.f32 v22, v5;
	v7 =	vld.idx.msk [tilespmem:v23+s7+$0x0], $0xffff  }
0x211: {  	v11 =	vmul.f32 v15, v10;
	v19 =	vmul.f32 v27, v14;
	v10 =	vld.idx.msk [tilespmem:v17+s7+$0x0], $0xffff;
	[tilespmem:s24+$0x70] =	vst v16  }
0x212: {  	v15 =	vsub.f32 $0.0e+00, v5;
	v5 =	vadd.f32 $1.000000000e+00, v5;
	v1 =	vld.idx.msk [tilespmem:v21+s7+$0x0], $0xffff;
	[tilespmem:s24+$0xFFFFFFF0] =	vst v12  }
0x213: {  	s26 =	sadd.s32 $0x80, s26;
	v14 =	vsub.f32 $0.0e+00, v11;
	v12 =	vmul.f32 v25, v19;
	v16 =	vmul.f32 v18, v13;
	v13 =	vld.idx.msk [tilespmem:v20+s7+$0x0], $0xffff  }
0x214: {  	v15 =	vmul.f32 $1.442695020e+00, v15  }
0x215: {  	v2 =	vmul.f32 v9, v2;
	v0 =	vmul.f32 v0, v16  }
0x216: {  	v9 =	vsub.f32 $0.0e+00, v12;
	v14 =	vmul.f32 $1.442695020e+00, v14;
	(erf) = vpow2.f32 v15  }
0x217: {  	v2 =	vmul.f32 v3, v2;
	v3 =	vmul.f32 v10, v7  }
0x218: {  	v9 =	vmul.f32 $1.442695020e+00, v9;
	(erf) = vpow2.f32 v14  }
0x219: {  	v3 =	vmul.f32 v4, v3  }
0x21a: {  	v7 =	vsub.f32 $0.0e+00, v0;
	(erf) = vpow2.f32 v9  }
0x21b: {  	v10 =	vsub.f32 $0.0e+00, v2;
	v1 =	vmul.f32 v13, v1;
	v9 =	vsub.f32 $0.0e+00, v3  }
0x21c: {  	v4 =	vmul.f32 $1.442695020e+00, v7  }
0x21d: {  	v7 =	vmul.f32 $1.442695020e+00, v10;
	v1 =	vmul.f32 v6, v1  }
0x21e: {  	(erf) = vpow2.f32 v4;
	v4 =	vmul.f32 $1.442695020e+00, v9  }
0x21f: {  	(erf) = vpow2.f32 v7;
	v6 =	vsub.f32 $0.0e+00, v1;
	v7 =	vadd.f32 $1.000000000e+00, v11;
	v9 =	vpop (erf)  }
0x220: {  	(erf) = vpow2.f32 v4;
	v4 =	vsub.f32 $1.000000000e+00, v8;
	v5 =	vmul.f32 v9, v5  }
0x221: {  	v6 =	vmul.f32 $1.442695020e+00, v6;
	v10 =	vpop (erf)  }
0x222: {  	v8 =	vadd.f32 $1.000000000e+00, v12;
	[tilespmem:s23+$0x60] =	vst v4;
	v4 =	vsub.f32 $1.000000000e+00, v5;
	v5 =	vmul.f32 v10, v7  }
0x223: {  	(erf) = vpow2.f32 v6;
	v6 =	vsub.f32 $1.000000000e+00, v10;
	v7 =	vpop (erf)  }
0x224: {  	[tilespmem:s24+$0x0] =	vst v4;
	v4 =	vsub.f32 $1.000000000e+00, v5;
	v5 =	vmul.f32 v7, v8;
	_ =	sdelay $0x2  }
0x225: {  	v0 =	vadd.f32 $1.000000000e+00, v0;
	v2 =	vadd.f32 $1.000000000e+00, v2;
	[tilespmem:s24+$0xFFFFFF90] =	vst v6;
	v6 =	vpop (erf)  }
0x226: {  	v9 =	vsub.f32 $1.000000000e+00, v9;
	[tilespmem:s24+$0x10] =	vst v4;
	v4 =	vsub.f32 $1.000000000e+00, v5;
	v5 =	vpop (erf)  }
0x227: {  	v7 =	vsub.f32 $1.000000000e+00, v7;
	v2 =	vmul.f32 v5, v2  }
0x228: {  	v3 =	vadd.f32 $1.000000000e+00, v3;
	[tilespmem:s24+$0xFFFFFF80] =	vst v9;
	v0 =	vmul.f32 v6, v0  }
0x229: {  	v6 =	vsub.f32 $1.000000000e+00, v6;
	[tilespmem:s24+$0xFFFFFFA0] =	vst v7;
	v2 =	vsub.f32 $1.000000000e+00, v2  }
0x22a: {  	[tilespmem:s24+$0x20] =	vst v4;
	v0 =	vsub.f32 $1.000000000e+00, v0;
	v4 =	vpop (erf)  }
0x22b: {  	[tilespmem:s24+$0xFFFFFFB0] =	vst v6;
	v3 =	vmul.f32 v4, v3  }
0x22c: {  	v1 =	vadd.f32 $1.000000000e+00, v1;
	v5 =	vsub.f32 $1.000000000e+00, v5;
	[tilespmem:s24+$0x30] =	vst v0  }
0x22d: {  	[tilespmem:s24+$0x40] =	vst v2;
	v0 =	vsub.f32 $1.000000000e+00, v3;
	v2 =	vpop (erf)  }
0x22e: {  	[tilespmem:s24+$0xFFFFFFC0] =	vst v5;
	v3 =	vsub.f32 $1.000000000e+00, v4;
	v1 =	vmul.f32 v2, v1  }
0x22f: {  	[tilespmem:s24+$0x50] =	vst v0;
	v2 =	vsub.f32 $1.000000000e+00, v2  }
0x230: {  	[tilespmem:s24+$0xFFFFFFD0] =	vst v3;
	v0 =	vsub.f32 $1.000000000e+00, v1  }
0x231: {  	s22 =	sshll.u32 s20, $0xA;
	[tilespmem:s24+$0xFFFFFFE0] =	vst v2  }
0x232: {  	s21 =	sshll.u32 s20, $0xC;
	s22 =	sadd.s32 s22, s18;
	[tilespmem:s24+$0x60] =	vst v0  }
0x233: {  	[hbm4b:s22+s7] =	stream.linear.scatter [tilespmem:s13], [sflag:$0x3], $0x1000, $0x38;
	[tilespmem:$0x1EF70] =	vst v63  }
0x234: {  	p0 =	seq.s32 s20, $0x30;
	s22 =	sadd.s32 $0x1000, s21  }
0x235: {  	s22 =	simm.s32 @p0 $0x0  }
0x236: {  	s22 =	sadd.s32 s9, s22  }
0x237: {  	s22 =	sshrl.u32 s22, $0x3  }
0x238: {  	s24 =	sadd.s32 s0, s22  }
0x239: {  	[tilespmem:s29], [sflag:$0x1] =	stream.linear.gather [hbm4b:s24+s7], $0x800, $0x38;
	[tilespmem:$0x1EF70] =	vst v63  }
0x23a: {  	s25 =	sadd.s32 s2, s22  }
0x23b: {  	[tilespmem:s30], [sflag:$0x1] =	stream.linear.gather [hbm4b:s25+s7], $0x800, $0x38;
	[tilespmem:$0x1EF70] =	vst v63  }
0x23c: {  	s22 =	sadd.s32 s3, s22  }
0x23d: {  	[tilespmem:s31], [sflag:$0x1] =	stream.linear.gather [hbm4b:s22+s7], $0x800, $0x38;
	[tilespmem:$0x1EF70] =	vst v63  }
0x23e: {  	_ =	swait.ge [sflag:s14], $0x800  }
0x23f: {  	[sflag:s14] =	ssyncset.done $0x0  }
0x240: {  	[sflag:s14] =	ssyncadd.s32 $0xFFFFF800  }
0x241: {  	_ =	swait.ge [sflag:s14], $0x800  }
0x242: {  	[sflag:s14] =	ssyncset.done $0x0  }
0x243: {  	[sflag:s14] =	ssyncadd.s32 $0xFFFFF800  }
0x244: {  	_ =	swait.ge [sflag:s14], $0x800  }
0x245: {  	[sflag:s14] =	ssyncset.done $0x0  }
0x246: {  	[sflag:s14] =	ssyncadd.s32 $0xFFFFF800  }
0x247: {  	_ =	swait.ge [sflag:s17], $0x1000  }
0x248: {  	[sflag:s17] =	ssyncset.done $0x0  }
0x249: {  	s26 =	simm.s32 $0x18F40;
	[sflag:s17] =	ssyncadd.s32 $0xFFFFF000  }
0x24a: {  	s24 =	simm.s32 $0x19F40;
	v0 =	vld [tilespmem:s26+$0x30]  }
0x24b: {  	v1 =	vld [tilespmem:s24+$0x30]  }
0x24c: {  	v2 =	vld [tilespmem:s24+$0xFFFFFFC0]  }
0x24d: {  	v3 =	vld [tilespmem:s26+$0xFFFFFFD0]  }
0x24e: {  	v4 =	vld [tilespmem:s24+$0xFFFFFFD0]  }
0x24f: {  	v5 =	vld [tilespmem:s26+$0xFFFFFFE0]  }
0x250: {  	s25 =	simm.s32 $0x1AF40;
	v6 =	vld [tilespmem:s24+$0xFFFFFFE0]  }
0x251: {  	v7 =	vld [tilespmem:s25+$0x30]  }
0x252: {  	v8 =	vld [tilespmem:s26+$0xFFFFFFF0]  }
0x253: {  	v9 =	vld [tilespmem:s24+$0xFFFFFFF0]  }
0x254: {  	v10 =	vld [tilespmem:s26+$0x0]  }
0x255: {  	v11 =	vld [tilespmem:s24+$0x0]  }
0x256: {  	v12 =	vld [tilespmem:s26+$0x10]  }
0x257: {  	v13 =	vld [tilespmem:s24+$0x10]  }
0x258: {  	v14 =	vld [tilespmem:s26+$0x20]  }
0x259: {  	v15 =	vld [tilespmem:s24+$0x20]  }
0x25a: {  	v16 =	vld [tilespmem:s26+$0xFFFFFFC0]  }
0x25b: {  	v17 =	vld [tilespmem:s25+$0xFFFFFFC0]  }
0x25c: {  	v19 =	vld [tilespmem:s25+$0xFFFFFFD0]  }
0x25d: {  	v20 =	vld [tilespmem:s25+$0xFFFFFFE0]  }
0x25e: {  	s23 =	simm.s32 $0x1AFC0;
	v21 =	vld [tilespmem:s25+$0x20]  }
0x25f: {  	v30 =	vld [tilespmem:s23+$0xFFFFFFD0]  }
0x260: {  	v31 =	vld [tilespmem:s23+$0xFFFFFFE0];
	v18 =	vmul.f32 $3.899999860e-01, v7;
	v7 =	vmul.f32 v7, v7  }
0x261: {  	v33 =	vld [tilespmem:s23+$0x0]  }
0x262: {  	v7 =	vmul.f32 v7, v18;
	v18 =	vld [tilespmem:s25+$0x0]  }
0x263: {  	v0 =	vld.idx.msk [tilespmem:v0+s7+$0x0], $0xffff  }
0x264: {  	v1 =	vld.idx.msk [tilespmem:v1+s7+$0x0], $0xffff  }
0x265: {  	v16 =	vld.idx.msk [tilespmem:v16+s7+$0x0], $0xffff  }
0x266: {  	v2 =	vld.idx.msk [tilespmem:v2+s7+$0x0], $0xffff  }
0x267: {  	v3 =	vld.idx.msk [tilespmem:v3+s7+$0x0], $0xffff  }
0x268: {  	v4 =	vld.idx.msk [tilespmem:v4+s7+$0x0], $0xffff  }
0x269: {  	v5 =	vld.idx.msk [tilespmem:v5+s7+$0x0], $0xffff  }
0x26a: {  	v35 =	vmul.f32 $3.899999860e-01, v17;
	v6 =	vld.idx.msk [tilespmem:v6+s7+$0x0], $0xffff  }
0x26b: {  	v17 =	vmul.f32 v17, v17;
	v23 =	vmul.f32 $3.899999860e-01, v19;
	v8 =	vld.idx.msk [tilespmem:v8+s7+$0x0], $0xffff  }
0x26c: {  	v19 =	vmul.f32 v19, v19;
	v24 =	vmul.f32 $3.899999860e-01, v20;
	v9 =	vld.idx.msk [tilespmem:v9+s7+$0x0], $0xffff  }
0x26d: {  	v20 =	vmul.f32 v20, v20;
	v28 =	vmul.f32 $3.899999860e-01, v21;
	v10 =	vld.idx.msk [tilespmem:v10+s7+$0x0], $0xffff  }
0x26e: {  	v21 =	vmul.f32 v21, v21;
	v58 =	vmul.f32 $3.899999860e-01, v30;
	v11 =	vld.idx.msk [tilespmem:v11+s7+$0x0], $0xffff  }
0x26f: {  	v30 =	vmul.f32 v30, v30;
	v59 =	vmul.f32 $3.899999860e-01, v31;
	v12 =	vld.idx.msk [tilespmem:v12+s7+$0x0], $0xffff  }
0x270: {  	v31 =	vmul.f32 v31, v31;
	v60 =	vmul.f32 $3.899999860e-01, v33;
	v13 =	vld.idx.msk [tilespmem:v13+s7+$0x0], $0xffff  }
0x271: {  	v33 =	vmul.f32 v33, v33;
	v17 =	vmul.f32 v17, v35;
	v14 =	vld.idx.msk [tilespmem:v14+s7+$0x0], $0xffff  }
0x272: {  	v19 =	vmul.f32 v19, v23;
	v20 =	vmul.f32 v20, v24;
	v15 =	vld.idx.msk [tilespmem:v15+s7+$0x0], $0xffff  }
0x273: {  	v26 =	vmul.f32 $3.899999860e-01, v18;
	v18 =	vmul.f32 v18, v18  }
0x274: {  	v0 =	vmul.f32 v1, v0;
	v2 =	vmul.f32 v2, v16  }
0x275: {  	v3 =	vmul.f32 v4, v3;
	v5 =	vmul.f32 v6, v5  }
0x276: {  	v8 =	vmul.f32 v9, v8;
	v10 =	vmul.f32 v11, v10  }
0x277: {  	s26 =	simm.s32 $0x18FC0;
	v1 =	vld [tilespmem:s25+$0xFFFFFFF0];
	v12 =	vmul.f32 v13, v12;
	v14 =	vmul.f32 v15, v14  }
0x278: {  	v16 =	vld [tilespmem:s26+$0x30];
	v18 =	vmul.f32 v18, v26;
	v0 =	vmul.f32 v7, v0  }
0x279: {  	s22 =	simm.s32 $0x19FC0;
	v7 =	vld [tilespmem:s25+$0x10];
	v2 =	vmul.f32 v17, v2;
	v17 =	vmul.f32 v21, v28  }
0x27a: {  	v37 =	vld [tilespmem:s22+$0x30];
	v3 =	vmul.f32 v19, v3;
	v5 =	vmul.f32 v20, v5  }
0x27b: {  	v44 =	vld [tilespmem:s22+$0xFFFFFFF0];
	v21 =	vmul.f32 v31, v59;
	v10 =	vmul.f32 v18, v10;
	v22 =	vsub.f32 $0.0e+00, v0  }
0x27c: {  	v45 =	vld [tilespmem:s22+$0x0];
	v14 =	vmul.f32 v17, v14;
	v25 =	vmul.f32 $3.899999860e-01, v1  }
0x27d: {  	v57 =	vld [tilespmem:s23+$0x20];
	v19 =	vsub.f32 $0.0e+00, v2;
	v1 =	vmul.f32 v1, v1;
	v22 =	vmul.f32 $1.442695020e+00, v22  }
0x27e: {  	v13 =	vld [tilespmem:s23+$0x30];
	v38 =	vsub.f32 $0.0e+00, v3;
	v27 =	vmul.f32 $3.899999860e-01, v7;
	v7 =	vmul.f32 v7, v7  }
0x27f: {  	v11 =	vld [tilespmem:s26+$0xFFFFFFE0];
	v19 =	vmul.f32 $1.442695020e+00, v19;
	v1 =	vmul.f32 v1, v25  }
0x280: {  	v49 =	vld [tilespmem:s26+$0xFFFFFFC0];
	v18 =	vmul.f32 $1.442695020e+00, v38;
	v7 =	vmul.f32 v7, v27  }
0x281: {  	v39 =	vsub.f32 $0.0e+00, v5;
	(erf) = vpow2.f32 v22;
	v16 =	vld.idx.msk [tilespmem:v16+s7+$0x0], $0xffff;
	v1 =	vmul.f32 v1, v8  }
0x282: {  	v0 =	vadd.f32 $1.000000000e+00, v0;
	(erf) = vpow2.f32 v19;
	v7 =	vmul.f32 v7, v12;
	v12 =	vld.idx.msk [tilespmem:v37+s7+$0x0], $0xffff  }
0x283: {  	v4 =	vld [tilespmem:s22+$0xFFFFFFC0];
	v41 =	vsub.f32 $0.0e+00, v10;
	v47 =	vmul.f32 $3.899999860e-01, v13;
	v40 =	vmul.f32 $1.442695020e+00, v39  }
0x284: {  	v13 =	vmul.f32 v13, v13;
	v8 =	vld [tilespmem:s22+$0xFFFFFFE0];
	(erf) = vpow2.f32 v18;
	v19 =	vsub.f32 $0.0e+00, v1  }
0x285: {  	v32 =	vld [tilespmem:s23+$0xFFFFFFF0];
	v2 =	vadd.f32 $1.000000000e+00, v2;
	v42 =	vmul.f32 $1.442695020e+00, v41;
	(erf) = vpow2.f32 v40  }
0x286: {  	v56 =	vld [tilespmem:s23+$0x10];
	v13 =	vmul.f32 v13, v47;
	v18 =	vmul.f32 $1.442695020e+00, v19;
	v43 =	vsub.f32 $0.0e+00, v7  }
0x287: {  	v3 =	vadd.f32 $1.000000000e+00, v3;
	v61 =	vld.idx.msk [tilespmem:v11+s7+$0x0], $0xffff;
	v11 =	vmul.f32 $3.899999860e-01, v57;
	v12 =	vmul.f32 v12, v16  }
0x288: {  	v6 =	vld [tilespmem:s26+$0xFFFFFFD0];
	v5 =	vadd.f32 $1.000000000e+00, v5;
	(erf) = vpow2.f32 v18;
	v18 =	vmul.f32 $1.442695020e+00, v43  }
0x289: {  	v9 =	vld [tilespmem:s22+$0xFFFFFFD0];
	v10 =	vadd.f32 $1.000000000e+00, v10;
	(erf) = vpow2.f32 v42;
	v12 =	vmul.f32 v13, v12  }
0x28a: {  	v22 =	vld.idx.msk [tilespmem:v49+s7+$0x0], $0xffff;
	v1 =	vadd.f32 $1.000000000e+00, v1;
	v36 =	vpop (erf);
	(erf) = vpow2.f32 v18;
	v18 =	vsub.f32 $0.0e+00, v14  }
0x28b: {  	v4 =	vld.idx.msk [tilespmem:v4+s7+$0x0], $0xffff;
	v0 =	vmul.f32 v36, v0;
	v46 =	vsub.f32 $1.000000000e+00, v36;
	v50 =	vpop (erf);
	v29 =	vsub.f32 $0.0e+00, v12  }
0x28c: {  	s24 =	simm.s32 $0x1C780;
	v7 =	vadd.f32 $1.000000000e+00, v7;
	v8 =	vld.idx.msk [tilespmem:v8+s7+$0x0], $0xffff;
	v18 =	vmul.f32 $1.442695020e+00, v18;
	v25 =	vsub.f32 $1.000000000e+00, v50  }
0x28d: {  	v13 =	vld [tilespmem:s23+$0xFFFFFFC0];
	v51 =	vpop (erf);
	v2 =	vmul.f32 v50, v2;
	v0 =	vsub.f32 $1.000000000e+00, v0;
	[tilespmem:s24+$0xFFFFFFF0] =	vst v46;
	v29 =	vmul.f32 $1.442695020e+00, v29  }
0x28e: {  	v48 =	vld [tilespmem:s26+$0x10];
	v3 =	vmul.f32 v51, v3;
	v53 =	vpop (erf);
	v54 =	vsub.f32 $1.000000000e+00, v51;
	(erf) = vpow2.f32 v18;
	[tilespmem:s24+$0xFFFFFF80] =	vst v25  }
0x28f: {  	v19 =	vld [tilespmem:s26+$0xFFFFFFF0];
	v5 =	vmul.f32 v53, v5;
	[tilespmem:s24+$0x70] =	vst v0;
	v0 =	vsub.f32 $1.000000000e+00, v2;
	(erf) = vpow2.f32 v29  }
0x290: {  	v15 =	vld [tilespmem:s26+$0x0];
	v22 =	vmul.f32 v4, v22;
	v14 =	vadd.f32 $1.000000000e+00, v14;
	v3 =	vsub.f32 $1.000000000e+00, v3;
	[tilespmem:s24+$0xFFFFFF90] =	vst v54  }
0x291: {  	v17 =	vld [tilespmem:s22+$0x10];
	v25 =	vmul.f32 v57, v57;
	v63 =	vmul.f32 v8, v61;
	v5 =	vsub.f32 $1.000000000e+00, v5;
	[tilespmem:s24+$0x0] =	vst v0  }
0x292: {  	v6 =	vld.idx.msk [tilespmem:v6+s7+$0x0], $0xffff;
	v34 =	vmul.f32 $3.899999860e-01, v13;
	v13 =	vmul.f32 v13, v13;
	v18 =	vpop (erf);
	v0 =	vsub.f32 $1.000000000e+00, v53;
	[tilespmem:s24+$0x10] =	vst v3  }
0x293: {  	v9 =	vld.idx.msk [tilespmem:v9+s7+$0x0], $0xffff;
	v1 =	vmul.f32 v18, v1;
	v2 =	vpop (erf);
	v3 =	vsub.f32 $1.000000000e+00, v18;
	v18 =	vmul.f32 $3.899999860e-01, v32;
	[tilespmem:s24+$0x20] =	vst v5  }
0x294: {  	v16 =	vld [tilespmem:s26+$0x20];
	v32 =	vmul.f32 v32, v32;
	v10 =	vmul.f32 v2, v10;
	v55 =	vpop (erf);
	[tilespmem:s24+$0xFFFFFFA0] =	vst v0;
	v2 =	vsub.f32 $1.000000000e+00, v2  }
0x295: {  	v52 =	vld [tilespmem:s22+$0x20];
	v5 =	vmul.f32 $3.899999860e-01, v56;
	v7 =	vmul.f32 v55, v7;
	v0 =	vsub.f32 $1.000000000e+00, v1;
	[tilespmem:s24+$0xFFFFFFB0] =	vst v3  }
0x296: {  	v23 =	vld.idx.msk [tilespmem:v44+s7+$0x0], $0xffff;
	v26 =	vsub.f32 $1.000000000e+00, v55;
	v3 =	vsub.f32 $1.000000000e+00, v10;
	v10 =	vmul.f32 v56, v56;
	[tilespmem:s24+$0xFFFFFFC0] =	vst v2  }
0x297: {  	v12 =	vadd.f32 $1.000000000e+00, v12;
	v19 =	vld.idx.msk [tilespmem:v19+s7+$0x0], $0xffff;
	v13 =	vmul.f32 v13, v34;
	v1 =	vmul.f32 v30, v58;
	[tilespmem:s24+$0x30] =	vst v0;
	v62 =	vpop (erf)  }
0x298: {  	v2 =	vld.idx.msk [tilespmem:v15+s7+$0x0], $0xffff;
	v7 =	vsub.f32 $1.000000000e+00, v7;
	v0 =	vmul.f32 v32, v18;
	[tilespmem:s24+$0xFFFFFFD0] =	vst v26;
	v4 =	vmul.f32 v10, v5;
	v18 =	vpop (erf)  }
0x299: {  	[tilespmem:s24+$0x40] =	vst v3;
	v5 =	vmul.f32 v9, v6;
	v9 =	vld.idx.msk [tilespmem:v45+s7+$0x0], $0xffff;
	v15 =	vsub.f32 $1.000000000e+00, v62;
	v12 =	vmul.f32 v18, v12  }
0x29a: {  	v13 =	vmul.f32 v13, v22;
	v3 =	vmul.f32 v33, v60;
	v10 =	vld.idx.msk [tilespmem:v17+s7+$0x0], $0xffff;
	[tilespmem:s24+$0x50] =	vst v7;
	v18 =	vsub.f32 $1.000000000e+00, v18  }
0x29b: {  	s25 =	simm.s32 $0x1C880;
	v6 =	vmul.f32 v25, v11;
	v7 =	vld.idx.msk [tilespmem:v48+s7+$0x0], $0xffff;
	v11 =	vmul.f32 v1, v5;
	[tilespmem:s24+$0xFFFFFFE0] =	vst v15;
	v12 =	vsub.f32 $1.000000000e+00, v12  }
0x29c: {  	v8 =	vmul.f32 v62, v14;
	v5 =	vadd.f32 $1.000000000e+00, v13;
	v1 =	vld.idx.msk [tilespmem:v16+s7+$0x0], $0xffff;
	v15 =	vsub.f32 $0.0e+00, v13;
	[tilespmem:s25+$0xFFFFFFF0] =	vst v18  }
0x29d: {  	s28 =	simm.s32 $0x19040;
	s26 =	simm.s32 $0x80;
	v16 =	vmul.f32 v23, v19;
	v13 =	vld.idx.msk [tilespmem:v52+s7+$0x0], $0xffff;
	v14 =	vsub.f32 $0.0e+00, v11;
	[tilespmem:s25+$0x70] =	vst v12;
	v12 =	vmul.f32 v21, v63  }
.LBB2_9:
0x29e: {  	v17 =	vld [tilespmem:s28+$0x30];
	v15 =	vmul.f32 $1.442695020e+00, v15;
	v11 =	vadd.f32 $1.000000000e+00, v11;
	s22 =	sadd.s32 $0x80, s22;
	v8 =	vsub.f32 $1.000000000e+00, v8  }
0x29f: {  	s26 =	sadd.s32 $0x80, s26;
	v9 =	vmul.f32 v9, v2;
	v18 =	vld [tilespmem:s22+$0x30];
	v19 =	vsub.f32 $0.0e+00, v12;
	v16 =	vmul.f32 v0, v16  }
0x2a0: {  	p1 =	slt.u32 s26, $0x780;
	v14 =	vmul.f32 $1.442695020e+00, v14;
	v12 =	vadd.f32 $1.000000000e+00, v12;
	v0 =	vld [tilespmem:s22+$0xFFFFFFC0];
	(erf) = vpow2.f32 v15;
	[tilespmem:s24+$0x60] =	vst v8;
	s24 =	smov.u32 s25  }
0x2a1: {  	v9 =	vmul.f32 v3, v9;
	v7 =	vmul.f32 v10, v7;
	v2 =	vld [tilespmem:s28+$0xFFFFFFD0];
	v8 =	vsub.f32 $0.0e+00, v16  }
0x2a2: {  	v10 =	vmul.f32 $1.442695020e+00, v19;
	v15 =	vadd.f32 $1.000000000e+00, v16;
	v3 =	vld [tilespmem:s22+$0xFFFFFFD0];
	(erf) = vpow2.f32 v14  }
0x2a3: {  	v16 =	vsub.f32 $0.0e+00, v9;
	v7 =	vmul.f32 v4, v7;
	v1 =	vmul.f32 v13, v1;
	v14 =	vld [tilespmem:s28+$0xFFFFFFE0]  }
0x2a4: {  	s23 =	sadd.s32 $0x80, s23;
	v9 =	vadd.f32 $1.000000000e+00, v9;
	v8 =	vmul.f32 $1.442695020e+00, v8;
	v4 =	vld [tilespmem:s22+$0xFFFFFFE0];
	(erf) = vpow2.f32 v10  }
0x2a5: {  	v13 =	vmul.f32 $1.442695020e+00, v16;
	v16 =	vsub.f32 $0.0e+00, v7;
	v1 =	vmul.f32 v6, v1;
	v10 =	vld [tilespmem:s23+$0x30]  }
0x2a6: {  	v7 =	vadd.f32 $1.000000000e+00, v7;
	v6 =	vld.idx.msk [tilespmem:v17+s7+$0x0], $0xffff;
	(erf) = vpow2.f32 v8  }
0x2a7: {  	v16 =	vmul.f32 $1.442695020e+00, v16;
	v17 =	vsub.f32 $0.0e+00, v1;
	v8 =	vld.idx.msk [tilespmem:v18+s7+$0x0], $0xffff;
	(erf) = vpow2.f32 v13  }
0x2a8: {  	v1 =	vadd.f32 $1.000000000e+00, v1;
	v13 =	vld [tilespmem:s28+$0xFFFFFFF0]  }
0x2a9: {  	v17 =	vmul.f32 $1.442695020e+00, v17;
	v18 =	vld [tilespmem:s22+$0xFFFFFFF0];
	v19 =	vpop (erf);
	(erf) = vpow2.f32 v16  }
0x2aa: {  	v16 =	vld [tilespmem:s28+$0x0];
	v24 =	vsub.f32 $1.000000000e+00, v19;
	v5 =	vmul.f32 v19, v5  }
0x2ab: {  	v21 =	vmul.f32 $3.899999860e-01, v10;
	v10 =	vmul.f32 v10, v10;
	v19 =	vld [tilespmem:s22+$0x0];
	v22 =	vpop (erf)  }
0x2ac: {  	v23 =	vld [tilespmem:s28+$0x10];
	[tilespmem:s25+$0xFFFFFF80] =	vst v24;
	v5 =	vsub.f32 $1.000000000e+00, v5;
	v11 =	vmul.f32 v22, v11;
	(erf) = vpow2.f32 v17  }
0x2ad: {  	v10 =	vmul.f32 v10, v21;
	v6 =	vmul.f32 v8, v6;
	v22 =	vsub.f32 $1.000000000e+00, v22;
	v17 =	vld [tilespmem:s22+$0x10];
	v20 =	vpop (erf)  }
0x2ae: {  	v21 =	vld [tilespmem:s28+$0x20];
	[tilespmem:s25+$0x0] =	vst v5;
	v5 =	vsub.f32 $1.000000000e+00, v11;
	v11 =	vsub.f32 $1.000000000e+00, v20;
	v12 =	vmul.f32 v20, v12  }
0x2af: {  	v6 =	vmul.f32 v10, v6;
	v20 =	vld [tilespmem:s22+$0x20];
	[tilespmem:s25+$0xFFFFFF90] =	vst v22;
	v8 =	vpop (erf)  }
0x2b0: {  	v10 =	vld [tilespmem:s28+$0xFFFFFFC0];
	[tilespmem:s25+$0x10] =	vst v5;
	v5 =	vsub.f32 $1.000000000e+00, v12;
	v12 =	vsub.f32 $1.000000000e+00, v8;
	v25 =	vmul.f32 v8, v15;
	v15 =	vpop (erf)  }
0x2b1: {  	v24 =	vsub.f32 $0.0e+00, v6;
	v22 =	vld [tilespmem:s23+$0xFFFFFFC0];
	[tilespmem:s25+$0xFFFFFFA0] =	vst v11;
	v11 =	vsub.f32 $1.000000000e+00, v15;
	v9 =	vmul.f32 v15, v9  }
0x2b2: {  	v15 =	vld [tilespmem:s23+$0xFFFFFFD0];
	[tilespmem:s25+$0x20] =	vst v5;
	v5 =	vsub.f32 $1.000000000e+00, v25;
	v8 =	vpop (erf)  }
0x2b3: {  	v26 =	vmul.f32 $1.442695020e+00, v24;
	v25 =	vld [tilespmem:s23+$0xFFFFFFE0];
	[tilespmem:s25+$0xFFFFFFB0] =	vst v12;
	v9 =	vsub.f32 $1.000000000e+00, v9;
	v7 =	vmul.f32 v8, v7  }
0x2b4: {  	v12 =	vld [tilespmem:s23+$0xFFFFFFF0];
	[tilespmem:s25+$0x30] =	vst v5;
	v5 =	vsub.f32 $1.000000000e+00, v8  }
0x2b5: {  	v8 =	vld [tilespmem:s23+$0x0];
	(erf) = vpow2.f32 v26;
	[tilespmem:s25+$0x40] =	vst v9;
	v7 =	vsub.f32 $1.000000000e+00, v7;
	v24 =	vpop (erf)  }
0x2b6: {  	v9 =	vmul.f32 $3.899999860e-01, v22;
	v22 =	vmul.f32 v22, v22;
	v26 =	vld [tilespmem:s23+$0x10];
	[tilespmem:s25+$0xFFFFFFC0] =	vst v11;
	v11 =	vsub.f32 $1.000000000e+00, v24  }
0x2b7: {  	v27 =	vmul.f32 $3.899999860e-01, v15;
	v15 =	vmul.f32 v15, v15;
	v28 =	vld [tilespmem:s23+$0x20];
	[tilespmem:s25+$0x50] =	vst v7  }
0x2b8: {  	v7 =	vld.idx.msk [tilespmem:v10+s7+$0x0], $0xffff;
	v10 =	vmul.f32 $3.899999860e-01, v25;
	v25 =	vmul.f32 v25, v25;
	[tilespmem:s25+$0xFFFFFFD0] =	vst v5  }
0x2b9: {  	v5 =	vld.idx.msk [tilespmem:v0+s7+$0x0], $0xffff;
	v0 =	vmul.f32 $3.899999860e-01, v12;
	v12 =	vmul.f32 v12, v12;
	[tilespmem:s25+$0xFFFFFFE0] =	vst v11  }
0x2ba: {  	v11 =	vld.idx.msk [tilespmem:v2+s7+$0x0], $0xffff;
	v29 =	vmul.f32 $3.899999860e-01, v8;
	v8 =	vmul.f32 v8, v8  }
0x2bb: {  	v30 =	vld.idx.msk [tilespmem:v3+s7+$0x0], $0xffff;
	v31 =	vmul.f32 $3.899999860e-01, v26;
	v26 =	vmul.f32 v26, v26  }
0x2bc: {  	v14 =	vld.idx.msk [tilespmem:v14+s7+$0x0], $0xffff;
	v32 =	vmul.f32 $3.899999860e-01, v28;
	v28 =	vmul.f32 v28, v28  }
0x2bd: {  	v22 =	vmul.f32 v22, v9;
	v15 =	vmul.f32 v15, v27;
	v2 =	vadd.f32 $1.000000000e+00, v6;
	v27 =	vld.idx.msk [tilespmem:v4+s7+$0x0], $0xffff  }
0x2be: {  	v25 =	vmul.f32 v25, v10;
	v0 =	vmul.f32 v12, v0;
	v13 =	vld.idx.msk [tilespmem:v13+s7+$0x0], $0xffff;
	v3 =	vpop (erf)  }
0x2bf: {  	v5 =	vmul.f32 v5, v7;
	v18 =	vld.idx.msk [tilespmem:v18+s7+$0x0], $0xffff;
	v12 =	vsub.f32 $1.000000000e+00, v3;
	v7 =	vmul.f32 v3, v2  }
0x2c0: {  	v4 =	vmul.f32 v26, v31;
	v3 =	vmul.f32 v8, v29;
	v2 =	vld.idx.msk [tilespmem:v16+s7+$0x0], $0xffff  }
.Ltmp3:
0x2c1: {  	v6 =	vmul.f32 v28, v32;
	v10 =	vmul.f32 v30, v11;
	v9 =	vld.idx.msk [tilespmem:v19+s7+$0x0], $0xffff;
	v16 =	vsub.f32 $1.000000000e+00, v7;
	(pc) =	sbr.rel @p1 .LBB2_9-.Ltmp3, $4  }
0x2c2: {  	s25 =	sadd.s32 $0x100, s25;
	v8 =	vmul.f32 v24, v1;
	v5 =	vmul.f32 v22, v5;
	v7 =	vld.idx.msk [tilespmem:v23+s7+$0x0], $0xffff  }
0x2c3: {  	v11 =	vmul.f32 v15, v10;
	v19 =	vmul.f32 v27, v14;
	v10 =	vld.idx.msk [tilespmem:v17+s7+$0x0], $0xffff;
	[tilespmem:s25+$0x70] =	vst v16  }
0x2c4: {  	v15 =	vsub.f32 $0.0e+00, v5;
	v5 =	vadd.f32 $1.000000000e+00, v5;
	v1 =	vld.idx.msk [tilespmem:v21+s7+$0x0], $0xffff;
	[tilespmem:s25+$0xFFFFFFF0] =	vst v12  }
0x2c5: {  	s28 =	sadd.s32 $0x80, s28;
	v14 =	vsub.f32 $0.0e+00, v11;
	v12 =	vmul.f32 v25, v19;
	v16 =	vmul.f32 v18, v13;
	v13 =	vld.idx.msk [tilespmem:v20+s7+$0x0], $0xffff  }
0x2c6: {  	v15 =	vmul.f32 $1.442695020e+00, v15;
	v2 =	vmul.f32 v9, v2  }
0x2c7: {  	v0 =	vmul.f32 v0, v16;
	v37 =	vsub.f32 $0.0e+00, v12;
	v14 =	vmul.f32 $1.442695020e+00, v14  }
0x2c8: {  	(erf) = vpow2.f32 v15;
	v2 =	vmul.f32 v3, v2  }
0x2c9: {  	v9 =	vmul.f32 $1.442695020e+00, v37;
	(erf) = vpow2.f32 v14  }
0x2ca: {  	v38 =	vmul.f32 v10, v7;
	v39 =	vsub.f32 $0.0e+00, v0  }
0x2cb: {  	v40 =	vsub.f32 $0.0e+00, v2;
	v1 =	vmul.f32 v13, v1;
	(erf) = vpow2.f32 v9  }
0x2cc: {  	v3 =	vmul.f32 v4, v38;
	v41 =	vmul.f32 $1.442695020e+00, v39  }
0x2cd: {  	v42 =	vmul.f32 $1.442695020e+00, v40;
	v1 =	vmul.f32 v6, v1  }
0x2ce: {  	v43 =	vsub.f32 $0.0e+00, v3;
	(erf) = vpow2.f32 v41  }
0x2cf: {  	(erf) = vpow2.f32 v42;
	v6 =	vsub.f32 $0.0e+00, v1  }
0x2d0: {  	v45 =	vadd.f32 $1.000000000e+00, v11;
	v44 =	vmul.f32 $1.442695020e+00, v43  }
0x2d1: {  	v47 =	vsub.f32 $1.000000000e+00, v8;
	v48 =	vadd.f32 $1.000000000e+00, v12;
	v6 =	vmul.f32 $1.442695020e+00, v6;
	v46 =	vpop (erf)  }
0x2d2: {  	(erf) = vpow2.f32 v44;
	v5 =	vmul.f32 v46, v5;
	v9 =	vsub.f32 $1.000000000e+00, v46;
	v49 =	vpop (erf)  }
0x2d3: {  	[tilespmem:s24+$0x60] =	vst v47;
	(erf) = vpow2.f32 v6;
	v51 =	vmul.f32 v49, v45;
	v52 =	vsub.f32 $1.000000000e+00, v49  }
0x2d4: {  	v50 =	vsub.f32 $1.000000000e+00, v5;
	[tilespmem:s25+$0xFFFFFF80] =	vst v9;
	v53 =	vpop (erf)  }
0x2d5: {  	v54 =	vsub.f32 $1.000000000e+00, v51;
	v55 =	vmul.f32 v53, v48;
	[tilespmem:s25+$0xFFFFFF90] =	vst v52  }
0x2d6: {  	v0 =	vadd.f32 $1.000000000e+00, v0;
	v7 =	vsub.f32 $1.000000000e+00, v53;
	[tilespmem:s25+$0x0] =	vst v50  }
0x2d7: {  	v2 =	vadd.f32 $1.000000000e+00, v2;
	v56 =	vpop (erf);
	[tilespmem:s25+$0x10] =	vst v54;
	v57 =	vsub.f32 $1.000000000e+00, v55  }
0x2d8: {  	v0 =	vmul.f32 v56, v0;
	v58 =	vpop (erf);
	v6 =	vsub.f32 $1.000000000e+00, v56;
	[tilespmem:s25+$0xFFFFFFA0] =	vst v7  }
0x2d9: {  	v2 =	vmul.f32 v58, v2;
	v5 =	vsub.f32 $1.000000000e+00, v58;
	[tilespmem:s25+$0x20] =	vst v57  }
0x2da: {  	v3 =	vadd.f32 $1.000000000e+00, v3;
	v0 =	vsub.f32 $1.000000000e+00, v0;
	[tilespmem:s25+$0xFFFFFFB0] =	vst v6  }
0x2db: {  	v1 =	vadd.f32 $1.000000000e+00, v1;
	v59 =	vpop (erf);
	v2 =	vsub.f32 $1.000000000e+00, v2;
	[tilespmem:s25+$0xFFFFFFC0] =	vst v5  }
0x2dc: {  	v3 =	vmul.f32 v59, v3;
	[tilespmem:s25+$0x30] =	vst v0;
	v61 =	vpop (erf);
	v62 =	vsub.f32 $1.000000000e+00, v59  }
0x2dd: {  	[tilespmem:s25+$0x40] =	vst v2;
	v1 =	vmul.f32 v61, v1;
	v2 =	vsub.f32 $1.000000000e+00, v61  }
0x2de: {  	s22 =	sadd.s32 s21, s11;
	s21 =	sadd.s32 $0x1800, s21;
	v60 =	vsub.f32 $1.000000000e+00, v3;
	[tilespmem:s25+$0xFFFFFFD0] =	vst v62  }
0x2df: {  	s21 =	simm.s32 @p0 $0x800;
	v63 =	vsub.f32 $1.000000000e+00, v1;
	[tilespmem:s25+$0xFFFFFFE0] =	vst v2  }
0x2e0: {  	s22 =	sshrl.u32 s22, $0x2;
	s21 =	sadd.s32 s9, s21;
	[tilespmem:s25+$0x50] =	vst v60  }
0x2e1: {  	s20 =	sadd.s32 $0x1, s20;
	s22 =	sadd.s32 s4, s22;
	s21 =	sshrl.u32 s21, $0x3;
	[tilespmem:s25+$0x60] =	vst v63  }
0x2e2: {  	[hbm4b:s22+s7] =	stream.linear.scatter [tilespmem:s15], [sflag:$0x4], $0x1000, $0x38;
	[tilespmem:$0x1EF70] =	vst v63  }
0x2e3: {  	p0 =	sne.s32 s20, $0x31;
	s26 =	sadd.s32 s0, s21  }
0x2e4: {  	[tilespmem:s5], [sflag:$0x2] =	stream.linear.gather [hbm4b:s26+s7], $0x800, $0x38;
	[tilespmem:$0x1EF70] =	vst v63  }
.Ltmp4:
0x2e5: {  	_ = 	snop;
	(pc) =	sbr.rel @p0 .LBB2_6-.Ltmp4, $4  }
0x2e6: {  	s28 =	sadd.s32 s2, s21  }
0x2e7: {  	[tilespmem:s1], [sflag:$0x2] =	stream.linear.gather [hbm4b:s28+s7], $0x800, $0x38;
	[tilespmem:$0x1EF70] =	vst v63  }
0x2e8: {  	s21 =	sadd.s32 s3, s21  }
0x2e9: {  	[tilespmem:s6], [sflag:$0x2] =	stream.linear.gather [hbm4b:s21+s7], $0x800, $0x38;
	[tilespmem:$0x1EF70] =	vst v63  }
0x2ea: {  	_ =	swait.ge [sflag:s12], $0x800  }
0x2eb: {  	[sflag:s12] =	ssyncset.done $0x0  }
0x2ec: {  	[sflag:s12] =	ssyncadd.s32 $0xFFFFF800  }
0x2ed: {  	_ =	swait.ge [sflag:s12], $0x800  }
0x2ee: {  	[sflag:s12] =	ssyncset.done $0x0  }
0x2ef: {  	[sflag:s12] =	ssyncadd.s32 $0xFFFFF800  }
0x2f0: {  	_ =	swait.ge [sflag:s12], $0x800  }
0x2f1: {  	[sflag:s12] =	ssyncset.done $0x0  }
0x2f2: {  	[sflag:s12] =	ssyncadd.s32 $0xFFFFF800  }
0x2f3: {  	_ =	swait.ge [sflag:s16], $0x1000  }
0x2f4: {  	[sflag:s16] =	ssyncset.done $0x0  }
0x2f5: {  	[sflag:s16] =	ssyncadd.s32 $0xFFFFF000  }
0x2f6: {  	_ =	swait.ge [sflag:s14], $0x800  }
0x2f7: {  	[sflag:s14] =	ssyncset.done $0x0  }
0x2f8: {  	[sflag:s14] =	ssyncadd.s32 $0xFFFFF800  }
0x2f9: {  	_ =	swait.ge [sflag:s14], $0x800  }
0x2fa: {  	[sflag:s14] =	ssyncset.done $0x0  }
0x2fb: {  	[sflag:s14] =	ssyncadd.s32 $0xFFFFF800  }
0x2fc: {  	_ =	swait.ge [sflag:s14], $0x800  }
0x2fd: {  	[sflag:s14] =	ssyncset.done $0x0  }
0x2fe: {  	[sflag:s14] =	ssyncadd.s32 $0xFFFFF800  }
0x2ff: {  	_ =	swait.ge [sflag:s17], $0x1000  }
0x300: {  	s19 =	sadd.s32 $0x1, s19;
	s20 =	rddreg [dreg:$0x15]  }
0x301: {  	p0 =	sne.s32 s19, s20  }
.Ltmp5:
0x302: {  	_ = 	snop;
	(pc) =	sbr.rel @p0 .LBB2_1-.Ltmp5, $3  }
0x303: {  	_ =	sdelay $0x1  }
0x304: {  	[sflag:s17] =	ssyncset.done $0x0  }
0x305: {  	[sflag:s17] =	ssyncadd.s32 $0xFFFFF000  }
0x306: {  	_ =	sfence.sel $0x180000  }
0x307: {  	[bflag:$0x0] =	sbarrier.arrive $0xFFFF  }
0x308: {  	_ =	strace $0x90000047  }
0x309: {  	s0 =	stileid.u32;
	[bflag:$0x2] =	sbarrier.arrive $0xFFFF  }
0x30a: {  	p0 =	sne.s32 s0, $0x0;
	s0 =	rddreg [dreg:$0x6]  }
0x30b: {  	s0 =	sadd.s32 @!p0 $0x100000, s0  }
0x30c: {  	[sflag:s0] =	ssyncadd.tile.s32 @!p0 $0x1;
	_ =	shalt  }
.Lfunc_end2:
_tile_overlayer_lowered:
.L_overlay_start_2:
0x30d: {  	(tag) =	ssettag $0x2  }
0x30e: {  	s0 =	rddreg [dreg:$0x0];
	s2 =	stileid.u32  }
0x30f: {  	s1 =	rddreg [dreg:$0x1];
	p0 =	sne.s32 s2, $0x0  }
0x310: {  	s3 =	rddreg [dreg:$0x2];
	[bflag:$0x3] =	sbarrier.arrive $0xFFFF;
	s2 =	simm.s32 @!p0 $0x1C05  }
0x311: {  	[timem:s3], [sflag:s2] =	dma.local @!p0 [hbm:s0], s1  }
0x312: {  	s0 =	simm.s32 @!p0 $0x5  }
0x313: {  	_ =	swait.ge @!p0 [sflag:s0], s1  }
0x314: {  	s1 =	ssub.s32 @!p0 $0x0, s1;
	[sflag:s0] =	ssyncset.done @!p0 $0x0  }
0x315: {  	[sflag:s0] =	ssyncadd.s32 @!p0 s1  }
0x316: {  	[bflag:$0x3] =	sbarrier.arrive $0xFFFF  }
0x317: {  	_ =	shalt  }

</sc_bundles>
